<compile_context>
chip_gen: v7x
topology: tpu7x:2x2x1
jax: 0.10.2.dev20260603
libtpu: 0.0.44.dev20260713+nightly
codegen_flags: <defaults>
</compile_context>

<pallas_src>
import functools

import jax
import jax.numpy as jnp
from jax import lax
from jax.experimental import pallas as pl
from jax.experimental.pallas import tpu as pltpu
from jax.experimental.pallas import tpu_sc as plsc

_VOCAB, _DIM, _B, _L = 32320, 1024, 1024, 50
_LF = 48
_NC, _NS = 2, 16
_NW = _NC * _NS
_PER_W = _B // _NW
_TPW = 2 * _PER_W
_TC = 8
_TR = _TPW // _TC

_mesh = plsc.VectorSubcoreMesh(core_axis_name="c", subcore_axis_name="s")


@functools.partial(
    pl.kernel,
    mesh=_mesh,
    out_type=(
        jax.ShapeDtypeStruct((_B, _L, _DIM), jnp.float32),
        jax.ShapeDtypeStruct((_NW, _TPW, _DIM), jnp.float32),
    ),
    scratch_types=[
        pltpu.VMEM((_PER_W, _L), jnp.int32),
        pltpu.VMEM((_TPW,), jnp.int32),
        pltpu.VMEM((_L, _DIM), jnp.float32),
        pltpu.VMEM((_L, _DIM), jnp.float32),
        pltpu.SemaphoreType.DMA,
        pltpu.SemaphoreType.DMA,
    ],
)
def _embed_gather(idx_hbm, tidx_hbm, table_hbm, out_hbm, tail_hbm,
                  idx_v, tidx_v, buf0, buf1, sem0, sem1):
    wid = lax.axis_index("s") * _NC + lax.axis_index("c")
    base = wid * _PER_W
    pltpu.sync_copy(idx_hbm.at[wid], idx_v)
    pltpu.sync_copy(tidx_hbm.at[wid], tidx_v)

    pltpu.async_copy(table_hbm.at[idx_v.at[0]], buf0, sem0)
    pltpu.async_copy(table_hbm.at[idx_v.at[1]], buf1, sem1)

    def body(i, carry):
        r0 = 2 * i
        pltpu.make_async_copy(table_hbm.at[idx_v.at[r0]], buf0, sem0).wait()
        pltpu.sync_copy(buf0.at[pl.ds(0, _LF)], out_hbm.at[base + r0, pl.ds(0, _LF)])
        pltpu.async_copy(table_hbm.at[idx_v.at[r0 + 2]], buf0, sem0)
        r1 = r0 + 1
        pltpu.make_async_copy(table_hbm.at[idx_v.at[r1]], buf1, sem1).wait()
        pltpu.sync_copy(buf1.at[pl.ds(0, _LF)], out_hbm.at[base + r1, pl.ds(0, _LF)])
        pltpu.async_copy(table_hbm.at[idx_v.at[r1 + 2]], buf1, sem1)
        return carry

    lax.fori_loop(0, _PER_W // 2 - 1, body, 0)

    r0 = _PER_W - 2
    pltpu.make_async_copy(table_hbm.at[idx_v.at[r0]], buf0, sem0).wait()
    pltpu.sync_copy(buf0.at[pl.ds(0, _LF)], out_hbm.at[base + r0, pl.ds(0, _LF)])
    r1 = _PER_W - 1
    pltpu.make_async_copy(table_hbm.at[idx_v.at[r1]], buf1, sem1).wait()
    pltpu.sync_copy(buf1.at[pl.ds(0, _LF)], out_hbm.at[base + r1, pl.ds(0, _LF)])

    tb0 = buf0.at[pl.ds(0, _TC)]
    tb1 = buf1.at[pl.ds(0, _TC)]
    pltpu.async_copy(table_hbm.at[tidx_v.at[pl.ds(0, _TC)]], tb0, sem0)
    pltpu.async_copy(table_hbm.at[tidx_v.at[pl.ds(_TC, _TC)]], tb1, sem1)
    for g in range(_TR):
        tb, sem = (tb0, sem0) if g % 2 == 0 else (tb1, sem1)
        pltpu.make_async_copy(
            table_hbm.at[tidx_v.at[pl.ds(g * _TC, _TC)]], tb, sem).wait()
        pltpu.sync_copy(tb, tail_hbm.at[wid, pl.ds(g * _TC, _TC)])
        if g + 2 < _TR:
            pltpu.async_copy(
                table_hbm.at[tidx_v.at[pl.ds((g + 2) * _TC, _TC)]], tb, sem)


def _fixup_body(main_ref, tail_ref, out_ref):
    out_ref[:, 0:2, :] = tail_ref[0].reshape(_PER_W, 2, _DIM)


_fixup = pl.pallas_call(
    _fixup_body,
    grid=(_NW,),
    in_specs=[
        pl.BlockSpec(memory_space=pl.ANY),
        pl.BlockSpec((1, _TPW, _DIM), lambda w: (w, 0, 0)),
    ],
    out_specs=pl.BlockSpec((_PER_W, 8, _DIM), lambda w: (w, 6, 0)),
    out_shape=jax.ShapeDtypeStruct((_B, _L, _DIM), jnp.float32),
    input_output_aliases={0: 0},
)


def kernel(src, src_length, tgt_input, embed_weight):
    idx = src.reshape(_NW, _PER_W, _L)
    tidx = src[:, _LF:_L].reshape(_NW, _TPW)
    out, tail = _embed_gather(idx, tidx, embed_weight)
    out = _fixup(out, tail)
    return out, src_length, tgt_input

# --- scband reference (transcript-rebuilt; emitter-appended) ---
"""Pipeline reference for scband-embed1-42322607735544 (READ-ONLY COPY).

The authoritative reference and input builder live on the scoring server;
editing this copy changes nothing except your own understanding.
"""

import jax, jax.numpy as jnp
import numpy as np

VOCAB = 32320
DIM = 1024
B = 1024
L = 50

def setup_inputs(seed: int = 0) -> dict:
    key = jax.random.key(seed)
    k1, k2, k3, k4 = jax.random.split(key, 4)
    src = jax.random.randint(k1, (B, L), 0, VOCAB, dtype=jnp.int32)
    src_length = jax.random.randint(k2, (B,), 1, L + 1, dtype=jnp.int32)
    tgt_input = jax.random.randint(k3, (B, L), 0, VOCAB, dtype=jnp.int32)
    # nn.init.uniform_(-0.1, 0.1) overwrites the whole table (including padding row)
    embed_weight = jax.random.uniform(k4, (VOCAB, DIM), minval=-0.1, maxval=0.1, dtype=jnp.float32)
    return {"src": src, "src_length": src_length, "tgt_input": tgt_input, "embed_weight": embed_weight}


def reference(src, src_length, tgt_input, embed_weight):
    # nn.Embedding lookup (padding_idx only affects backward since init overwrote row 0)
    out = jnp.take(embed_weight, src, axis=0)
    # Dropout(p=0.2) is identity in eval mode
    return (out, src_length, tgt_input)

if __name__ == "__main__":
    import jax
    _d = setup_inputs()
    print(jax.jit(kernel)(*tuple(_d.values())))

</pallas_src>

<mosaic_0001>
#map = affine_map<(d0, d1) -> (0, 0, 0)>
#map1 = affine_map<(d0, d1) -> (0, 0)>
module attributes {stable_mosaic.version = 14 : i64} {
  func.func @_embed_gather(%arg0: i32, %arg1: i32, %arg2: memref<32x32x50xi32, #tpu.memory_space<hbm>>, %arg3: memref<32x64xi32, #tpu.memory_space<hbm>>, %arg4: memref<32320x1024xf32, #tpu.memory_space<hbm>>, %arg5: memref<1024x50x1024xf32, #tpu.memory_space<hbm>>, %arg6: memref<32x64x1024xf32, #tpu.memory_space<hbm>>, %arg7: memref<32x50xi32, #tpu.memory_space<vmem>>, %arg8: memref<64xi32, #tpu.memory_space<vmem>>, %arg9: memref<50x1024xf32, #tpu.memory_space<vmem>>, %arg10: memref<50x1024xf32, #tpu.memory_space<vmem>>, %arg11: memref<!tpu.dma_semaphore, #tpu.memory_space<semaphore_mem>>, %arg12: memref<!tpu.dma_semaphore, #tpu.memory_space<semaphore_mem>>) attributes {dimension_semantics = [#tpu.dimension_semantics<core_parallel>, #tpu.dimension_semantics<subcore_parallel>], iteration_bounds = array<i64: 2, 16>, scalar_prefetch = 0 : i64, scratch_operands = 6 : i64, tpu.core_type = #tpu.core_type<sc_vector_subcore>, window_params = [{transform_indices = #map}, {transform_indices = #map1}, {transform_indices = #map1}, {transform_indices = #map}, {transform_indices = #map}]} {
    %mul3A = arith.constant 2 : i32
    %mul3A_0 = arith.muli %arg1, %mul3A : i32
    %add3A = arith.addi %mul3A_0, %arg0 : i32
    %mul3A_1 = arith.constant 32 : i32
    %mul3A_2 = arith.muli %add3A, %mul3A_1 : i32
    "tpu.region"() ({
      %run_scoped3A = tpu.sem_alloc : memref<!tpu.dma_semaphore, #tpu.memory_space<semaphore_mem>>
      %dma_start3A_166 = arith.constant 0 : i32
      %dma_start3A_167 = arith.constant 0 : i32
      %dma_start3A_168 = tpu.memref_slice %arg2[%add3A, %dma_start3A_166, %dma_start3A_167] : memref<32x32x50xi32, #tpu.memory_space<hbm>> -> memref<1x32x50xi32, #tpu.memory_space<hbm>>
      %dma_start3A_169 = tpu.memref_squeeze %dma_start3A_168 : memref<1x32x50xi32, #tpu.memory_space<hbm>> -> memref<32x50xi32, #tpu.memory_space<hbm>>
      %dma_start3A_170 = arith.constant 0 : i32
      %dma_start3A_171 = arith.constant 0 : i32
      %dma_start3A_172 = tpu.memref_slice %arg2[%add3A, %dma_start3A_170, %dma_start3A_171] : memref<32x32x50xi32, #tpu.memory_space<hbm>> -> memref<1x32x50xi32, #tpu.memory_space<hbm>>
      %dma_start3A_173 = tpu.memref_squeeze %dma_start3A_172 : memref<1x32x50xi32, #tpu.memory_space<hbm>> -> memref<32x50xi32, #tpu.memory_space<hbm>>
      tpu.enqueue_dma source(%dma_start3A_173 : memref<32x50xi32, #tpu.memory_space<hbm>>) target(%arg7 : memref<32x50xi32, #tpu.memory_space<vmem>>) target_semaphore(%run_scoped3A : memref<!tpu.dma_semaphore, #tpu.memory_space<semaphore_mem>>)
      %dma_wait3A_174 = arith.constant 0 : i32
      %dma_wait3A_175 = arith.constant 0 : i32
      %dma_wait3A_176 = tpu.memref_slice %arg2[%add3A, %dma_wait3A_174, %dma_wait3A_175] : memref<32x32x50xi32, #tpu.memory_space<hbm>> -> memref<1x32x50xi32, #tpu.memory_space<hbm>>
      %dma_wait3A_177 = tpu.memref_squeeze %dma_wait3A_176 : memref<1x32x50xi32, #tpu.memory_space<hbm>> -> memref<32x50xi32, #tpu.memory_space<hbm>>
      %dma_wait3A_178 = arith.constant 0 : i32
      %dma_wait3A_179 = arith.constant 0 : i32
      %dma_wait3A_180 = tpu.memref_slice %arg2[%add3A, %dma_wait3A_178, %dma_wait3A_179] : memref<32x32x50xi32, #tpu.memory_space<hbm>> -> memref<1x32x50xi32, #tpu.memory_space<hbm>>
      %dma_wait3A_181 = tpu.memref_squeeze %dma_wait3A_180 : memref<1x32x50xi32, #tpu.memory_space<hbm>> -> memref<32x50xi32, #tpu.memory_space<hbm>>
      tpu.wait_dma2 semaphore(%run_scoped3A : memref<!tpu.dma_semaphore, #tpu.memory_space<semaphore_mem>>) src(%dma_wait3A_181 : memref<32x50xi32, #tpu.memory_space<hbm>>) dst(%arg7 : memref<32x50xi32, #tpu.memory_space<vmem>>)
      tpu.yield
    }) : () -> ()
    "tpu.region"() ({
      %run_scoped3A = tpu.sem_alloc : memref<!tpu.dma_semaphore, #tpu.memory_space<semaphore_mem>>
      %dma_start3A_166 = arith.constant 0 : i32
      %dma_start3A_167 = tpu.memref_slice %arg3[%add3A, %dma_start3A_166] : memref<32x64xi32, #tpu.memory_space<hbm>> -> memref<1x64xi32, #tpu.memory_space<hbm>>
      %dma_start3A_168 = tpu.memref_squeeze %dma_start3A_167 : memref<1x64xi32, #tpu.memory_space<hbm>> -> memref<64xi32, #tpu.memory_space<hbm>>
      %dma_start3A_169 = arith.constant 0 : i32
      %dma_start3A_170 = tpu.memref_slice %arg3[%add3A, %dma_start3A_169] : memref<32x64xi32, #tpu.memory_space<hbm>> -> memref<1x64xi32, #tpu.memory_space<hbm>>
      %dma_start3A_171 = tpu.memref_squeeze %dma_start3A_170 : memref<1x64xi32, #tpu.memory_space<hbm>> -> memref<64xi32, #tpu.memory_space<hbm>>
      tpu.enqueue_dma source(%dma_start3A_171 : memref<64xi32, #tpu.memory_space<hbm>>) target(%arg8 : memref<64xi32, #tpu.memory_space<vmem>>) target_semaphore(%run_scoped3A : memref<!tpu.dma_semaphore, #tpu.memory_space<semaphore_mem>>)
      %dma_wait3A_172 = arith.constant 0 : i32
      %dma_wait3A_173 = tpu.memref_slice %arg3[%add3A, %dma_wait3A_172] : memref<32x64xi32, #tpu.memory_space<hbm>> -> memref<1x64xi32, #tpu.memory_space<hbm>>
      %dma_wait3A_174 = tpu.memref_squeeze %dma_wait3A_173 : memref<1x64xi32, #tpu.memory_space<hbm>> -> memref<64xi32, #tpu.memory_space<hbm>>
      %dma_wait3A_175 = arith.constant 0 : i32
      %dma_wait3A_176 = tpu.memref_slice %arg3[%add3A, %dma_wait3A_175] : memref<32x64xi32, #tpu.memory_space<hbm>> -> memref<1x64xi32, #tpu.memory_space<hbm>>
      %dma_wait3A_177 = tpu.memref_squeeze %dma_wait3A_176 : memref<1x64xi32, #tpu.memory_space<hbm>> -> memref<64xi32, #tpu.memory_space<hbm>>
      tpu.wait_dma2 semaphore(%run_scoped3A : memref<!tpu.dma_semaphore, #tpu.memory_space<semaphore_mem>>) src(%dma_wait3A_177 : memref<64xi32, #tpu.memory_space<hbm>>) dst(%arg8 : memref<64xi32, #tpu.memory_space<vmem>>)
      tpu.yield
    }) : () -> ()
    %dma_start3A = arith.constant 0 : i32
    %dma_start3A_3 = arith.constant 0 : i32
    %dma_start3A_4 = tpu.memref_slice %arg7[%dma_start3A, %dma_start3A_3] : memref<32x50xi32, #tpu.memory_space<vmem>> -> memref<1x50xi32, #tpu.memory_space<vmem>>
    %dma_start3A_5 = tpu.memref_squeeze %dma_start3A_4 : memref<1x50xi32, #tpu.memory_space<vmem>> -> memref<50xi32, #tpu.memory_space<vmem>>
    %dma_start3A_6 = arith.constant 0 : i32
    %dma_start3A_7 = arith.constant 0 : i32
    %dma_start3A_8 = tpu.memref_slice %arg4[%dma_start3A_6, %dma_start3A_7] : memref<32320x1024xf32, #tpu.memory_space<hbm>> -> memref<32320x1024xf32, #tpu.memory_space<hbm>>
    tpu.enqueue_indirect_dma source(%dma_start3A_8 : memref<32320x1024xf32, #tpu.memory_space<hbm>>) target(%arg9 : memref<50x1024xf32, #tpu.memory_space<vmem>>) offsets(%dma_start3A_5 : memref<50xi32, #tpu.memory_space<vmem>>) semaphore(%arg11 : memref<!tpu.dma_semaphore, #tpu.memory_space<semaphore_mem>>)
    %dma_start3A_9 = arith.constant 1 : i32
    %dma_start3A_10 = arith.constant 0 : i32
    %dma_start3A_11 = tpu.memref_slice %arg7[%dma_start3A_9, %dma_start3A_10] : memref<32x50xi32, #tpu.memory_space<vmem>> -> memref<1x50xi32, #tpu.memory_space<vmem>>
    %dma_start3A_12 = tpu.memref_squeeze %dma_start3A_11 : memref<1x50xi32, #tpu.memory_space<vmem>> -> memref<50xi32, #tpu.memory_space<vmem>>
    %dma_start3A_13 = arith.constant 0 : i32
    %dma_start3A_14 = arith.constant 0 : i32
    %dma_start3A_15 = tpu.memref_slice %arg4[%dma_start3A_13, %dma_start3A_14] : memref<32320x1024xf32, #tpu.memory_space<hbm>> -> memref<32320x1024xf32, #tpu.memory_space<hbm>>
    tpu.enqueue_indirect_dma source(%dma_start3A_15 : memref<32320x1024xf32, #tpu.memory_space<hbm>>) target(%arg10 : memref<50x1024xf32, #tpu.memory_space<vmem>>) offsets(%dma_start3A_12 : memref<50xi32, #tpu.memory_space<vmem>>) semaphore(%arg12 : memref<!tpu.dma_semaphore, #tpu.memory_space<semaphore_mem>>)
    %scan3A = arith.constant 0 : i32
    %scan3A_16 = arith.constant 0 : i32
    %scan3A_17 = arith.constant 15 : i32
    %scan3A_18 = arith.addi %scan3A_16, %scan3A_17 : i32
    %scan3A_19 = arith.constant 1 : i32
    scf.for %scan3A_166 = %scan3A_16 to %scan3A_18 step %scan3A_19  : i32 {
      %mul3A_167 = arith.constant 2 : i32
      %mul3A_168 = arith.muli %mul3A_167, %scan3A_166 : i32
      %dma_wait3A_169 = arith.constant 0 : i32
      %dma_wait3A_170 = tpu.memref_slice %arg7[%mul3A_168, %dma_wait3A_169] : memref<32x50xi32, #tpu.memory_space<vmem>> -> memref<1x50xi32, #tpu.memory_space<vmem>>
      %dma_wait3A_171 = tpu.memref_squeeze %dma_wait3A_170 : memref<1x50xi32, #tpu.memory_space<vmem>> -> memref<50xi32, #tpu.memory_space<vmem>>
      %dma_wait3A_172 = arith.constant 0 : i32
      %dma_wait3A_173 = arith.constant 0 : i32
      %dma_wait3A_174 = tpu.memref_slice %arg4[%dma_wait3A_172, %dma_wait3A_173] : memref<32320x1024xf32, #tpu.memory_space<hbm>> -> memref<32320x1024xf32, #tpu.memory_space<hbm>>
      tpu.wait_indirect_dma semaphore(%arg11 : memref<!tpu.dma_semaphore, #tpu.memory_space<semaphore_mem>>) src(%dma_wait3A_174 : memref<32320x1024xf32, #tpu.memory_space<hbm>>) dst(%arg9 : memref<50x1024xf32, #tpu.memory_space<vmem>>)
      %add3A_175 = arith.addi %mul3A_2, %mul3A_168 : i32
      "tpu.region"() ({
        %run_scoped3A = tpu.sem_alloc : memref<!tpu.dma_semaphore, #tpu.memory_space<semaphore_mem>>
        %dma_start3A_201 = arith.constant 0 : i32
        %dma_start3A_202 = arith.constant 0 : i32
        %dma_start3A_203 = tpu.memref_slice %arg9[%dma_start3A_201, %dma_start3A_202] : memref<50x1024xf32, #tpu.memory_space<vmem>> -> memref<48x1024xf32, #tpu.memory_space<vmem>>
        %dma_start3A_204 = arith.constant 0 : i32
        %dma_start3A_205 = arith.constant 0 : i32
        %dma_start3A_206 = tpu.memref_slice %arg5[%add3A_175, %dma_start3A_204, %dma_start3A_205] : memref<1024x50x1024xf32, #tpu.memory_space<hbm>> -> memref<1x48x1024xf32, #tpu.memory_space<hbm>>
        %dma_start3A_207 = tpu.memref_squeeze %dma_start3A_206 : memref<1x48x1024xf32, #tpu.memory_space<hbm>> -> memref<48x1024xf32, #tpu.memory_space<hbm>>
        %dma_start3A_208 = arith.constant 0 : i32
        %dma_start3A_209 = arith.constant 0 : i32
        %dma_start3A_210 = tpu.memref_slice %arg5[%add3A_175, %dma_start3A_208, %dma_start3A_209] : memref<1024x50x1024xf32, #tpu.memory_space<hbm>> -> memref<1x48x1024xf32, #tpu.memory_space<hbm>>
        %dma_start3A_211 = tpu.memref_squeeze %dma_start3A_210 : memref<1x48x1024xf32, #tpu.memory_space<hbm>> -> memref<48x1024xf32, #tpu.memory_space<hbm>>
        %dma_start3A_212 = arith.constant 0 : i32
        %dma_start3A_213 = arith.constant 0 : i32
        %dma_start3A_214 = tpu.memref_slice %arg9[%dma_start3A_212, %dma_start3A_213] : memref<50x1024xf32, #tpu.memory_space<vmem>> -> memref<48x1024xf32, #tpu.memory_space<vmem>>
        tpu.enqueue_dma source(%dma_start3A_214 : memref<48x1024xf32, #tpu.memory_space<vmem>>) target(%dma_start3A_211 : memref<48x1024xf32, #tpu.memory_space<hbm>>) target_semaphore(%run_scoped3A : memref<!tpu.dma_semaphore, #tpu.memory_space<semaphore_mem>>)
        %dma_wait3A_215 = arith.constant 0 : i32
        %dma_wait3A_216 = arith.constant 0 : i32
        %dma_wait3A_217 = tpu.memref_slice %arg9[%dma_wait3A_215, %dma_wait3A_216] : memref<50x1024xf32, #tpu.memory_space<vmem>> -> memref<48x1024xf32, #tpu.memory_space<vmem>>
        %dma_wait3A_218 = arith.constant 0 : i32
        %dma_wait3A_219 = arith.constant 0 : i32
        %dma_wait3A_220 = tpu.memref_slice %arg5[%add3A_175, %dma_wait3A_218, %dma_wait3A_219] : memref<1024x50x1024xf32, #tpu.memory_space<hbm>> -> memref<1x48x1024xf32, #tpu.memory_space<hbm>>
        %dma_wait3A_221 = tpu.memref_squeeze %dma_wait3A_220 : memref<1x48x1024xf32, #tpu.memory_space<hbm>> -> memref<48x1024xf32, #tpu.memory_space<hbm>>
        %dma_wait3A_222 = arith.constant 0 : i32
        %dma_wait3A_223 = arith.constant 0 : i32
        %dma_wait3A_224 = tpu.memref_slice %arg5[%add3A_175, %dma_wait3A_222, %dma_wait3A_223] : memref<1024x50x1024xf32, #tpu.memory_space<hbm>> -> memref<1x48x1024xf32, #tpu.memory_space<hbm>>
        %dma_wait3A_225 = tpu.memref_squeeze %dma_wait3A_224 : memref<1x48x1024xf32, #tpu.memory_space<hbm>> -> memref<48x1024xf32, #tpu.memory_space<hbm>>
        %dma_wait3A_226 = arith.constant 0 : i32
        %dma_wait3A_227 = arith.constant 0 : i32
        %dma_wait3A_228 = tpu.memref_slice %arg9[%dma_wait3A_226, %dma_wait3A_227] : memref<50x1024xf32, #tpu.memory_space<vmem>> -> memref<48x1024xf32, #tpu.memory_space<vmem>>
        tpu.wait_dma2 semaphore(%run_scoped3A : memref<!tpu.dma_semaphore, #tpu.memory_space<semaphore_mem>>) src(%dma_wait3A_228 : memref<48x1024xf32, #tpu.memory_space<vmem>>) dst(%dma_wait3A_225 : memref<48x1024xf32, #tpu.memory_space<hbm>>)
        tpu.yield
      }) : () -> ()
      %add3A_176 = arith.constant 2 : i32
      %add3A_177 = arith.addi %mul3A_168, %add3A_176 : i32
      %dma_start3A_178 = arith.constant 0 : i32
      %dma_start3A_179 = tpu.memref_slice %arg7[%add3A_177, %dma_start3A_178] : memref<32x50xi32, #tpu.memory_space<vmem>> -> memref<1x50xi32, #tpu.memory_space<vmem>>
      %dma_start3A_180 = tpu.memref_squeeze %dma_start3A_179 : memref<1x50xi32, #tpu.memory_space<vmem>> -> memref<50xi32, #tpu.memory_space<vmem>>
      %dma_start3A_181 = arith.constant 0 : i32
      %dma_start3A_182 = arith.constant 0 : i32
      %dma_start3A_183 = tpu.memref_slice %arg4[%dma_start3A_181, %dma_start3A_182] : memref<32320x1024xf32, #tpu.memory_space<hbm>> -> memref<32320x1024xf32, #tpu.memory_space<hbm>>
      tpu.enqueue_indirect_dma source(%dma_start3A_183 : memref<32320x1024xf32, #tpu.memory_space<hbm>>) target(%arg9 : memref<50x1024xf32, #tpu.memory_space<vmem>>) offsets(%dma_start3A_180 : memref<50xi32, #tpu.memory_space<vmem>>) semaphore(%arg11 : memref<!tpu.dma_semaphore, #tpu.memory_space<semaphore_mem>>)
      %add3A_184 = arith.constant 1 : i32
      %add3A_185 = arith.addi %mul3A_168, %add3A_184 : i32
      %dma_wait3A_186 = arith.constant 0 : i32
      %dma_wait3A_187 = tpu.memref_slice %arg7[%add3A_185, %dma_wait3A_186] : memref<32x50xi32, #tpu.memory_space<vmem>> -> memref<1x50xi32, #tpu.memory_space<vmem>>
      %dma_wait3A_188 = tpu.memref_squeeze %dma_wait3A_187 : memref<1x50xi32, #tpu.memory_space<vmem>> -> memref<50xi32, #tpu.memory_space<vmem>>
      %dma_wait3A_189 = arith.constant 0 : i32
      %dma_wait3A_190 = arith.constant 0 : i32
      %dma_wait3A_191 = tpu.memref_slice %arg4[%dma_wait3A_189, %dma_wait3A_190] : memref<32320x1024xf32, #tpu.memory_space<hbm>> -> memref<32320x1024xf32, #tpu.memory_space<hbm>>
      tpu.wait_indirect_dma semaphore(%arg12 : memref<!tpu.dma_semaphore, #tpu.memory_space<semaphore_mem>>) src(%dma_wait3A_191 : memref<32320x1024xf32, #tpu.memory_space<hbm>>) dst(%arg10 : memref<50x1024xf32, #tpu.memory_space<vmem>>)
      %add3A_192 = arith.addi %mul3A_2, %add3A_185 : i32
      "tpu.region"() ({
        %run_scoped3A = tpu.sem_alloc : memref<!tpu.dma_semaphore, #tpu.memory_space<semaphore_mem>>
        %dma_start3A_201 = arith.constant 0 : i32
        %dma_start3A_202 = arith.constant 0 : i32
        %dma_start3A_203 = tpu.memref_slice %arg10[%dma_start3A_201, %dma_start3A_202] : memref<50x1024xf32, #tpu.memory_space<vmem>> -> memref<48x1024xf32, #tpu.memory_space<vmem>>
        %dma_start3A_204 = arith.constant 0 : i32
        %dma_start3A_205 = arith.constant 0 : i32
        %dma_start3A_206 = tpu.memref_slice %arg5[%add3A_192, %dma_start3A_204, %dma_start3A_205] : memref<1024x50x1024xf32, #tpu.memory_space<hbm>> -> memref<1x48x1024xf32, #tpu.memory_space<hbm>>
        %dma_start3A_207 = tpu.memref_squeeze %dma_start3A_206 : memref<1x48x1024xf32, #tpu.memory_space<hbm>> -> memref<48x1024xf32, #tpu.memory_space<hbm>>
        %dma_start3A_208 = arith.constant 0 : i32
        %dma_start3A_209 = arith.constant 0 : i32
        %dma_start3A_210 = tpu.memref_slice %arg5[%add3A_192, %dma_start3A_208, %dma_start3A_209] : memref<1024x50x1024xf32, #tpu.memory_space<hbm>> -> memref<1x48x1024xf32, #tpu.memory_space<hbm>>
        %dma_start3A_211 = tpu.memref_squeeze %dma_start3A_210 : memref<1x48x1024xf32, #tpu.memory_space<hbm>> -> memref<48x1024xf32, #tpu.memory_space<hbm>>
        %dma_start3A_212 = arith.constant 0 : i32
        %dma_start3A_213 = arith.constant 0 : i32
        %dma_start3A_214 = tpu.memref_slice %arg10[%dma_start3A_212, %dma_start3A_213] : memref<50x1024xf32, #tpu.memory_space<vmem>> -> memref<48x1024xf32, #tpu.memory_space<vmem>>
        tpu.enqueue_dma source(%dma_start3A_214 : memref<48x1024xf32, #tpu.memory_space<vmem>>) target(%dma_start3A_211 : memref<48x1024xf32, #tpu.memory_space<hbm>>) target_semaphore(%run_scoped3A : memref<!tpu.dma_semaphore, #tpu.memory_space<semaphore_mem>>)
        %dma_wait3A_215 = arith.constant 0 : i32
        %dma_wait3A_216 = arith.constant 0 : i32
        %dma_wait3A_217 = tpu.memref_slice %arg10[%dma_wait3A_215, %dma_wait3A_216] : memref<50x1024xf32, #tpu.memory_space<vmem>> -> memref<48x1024xf32, #tpu.memory_space<vmem>>
        %dma_wait3A_218 = arith.constant 0 : i32
        %dma_wait3A_219 = arith.constant 0 : i32
        %dma_wait3A_220 = tpu.memref_slice %arg5[%add3A_192, %dma_wait3A_218, %dma_wait3A_219] : memref<1024x50x1024xf32, #tpu.memory_space<hbm>> -> memref<1x48x1024xf32, #tpu.memory_space<hbm>>
        %dma_wait3A_221 = tpu.memref_squeeze %dma_wait3A_220 : memref<1x48x1024xf32, #tpu.memory_space<hbm>> -> memref<48x1024xf32, #tpu.memory_space<hbm>>
        %dma_wait3A_222 = arith.constant 0 : i32
        %dma_wait3A_223 = arith.constant 0 : i32
        %dma_wait3A_224 = tpu.memref_slice %arg5[%add3A_192, %dma_wait3A_222, %dma_wait3A_223] : memref<1024x50x1024xf32, #tpu.memory_space<hbm>> -> memref<1x48x1024xf32, #tpu.memory_space<hbm>>
        %dma_wait3A_225 = tpu.memref_squeeze %dma_wait3A_224 : memref<1x48x1024xf32, #tpu.memory_space<hbm>> -> memref<48x1024xf32, #tpu.memory_space<hbm>>
        %dma_wait3A_226 = arith.constant 0 : i32
        %dma_wait3A_227 = arith.constant 0 : i32
        %dma_wait3A_228 = tpu.memref_slice %arg10[%dma_wait3A_226, %dma_wait3A_227] : memref<50x1024xf32, #tpu.memory_space<vmem>> -> memref<48x1024xf32, #tpu.memory_space<vmem>>
        tpu.wait_dma2 semaphore(%run_scoped3A : memref<!tpu.dma_semaphore, #tpu.memory_space<semaphore_mem>>) src(%dma_wait3A_228 : memref<48x1024xf32, #tpu.memory_space<vmem>>) dst(%dma_wait3A_225 : memref<48x1024xf32, #tpu.memory_space<hbm>>)
        tpu.yield
      }) : () -> ()
      %add3A_193 = arith.constant 2 : i32
      %add3A_194 = arith.addi %add3A_185, %add3A_193 : i32
      %dma_start3A_195 = arith.constant 0 : i32
      %dma_start3A_196 = tpu.memref_slice %arg7[%add3A_194, %dma_start3A_195] : memref<32x50xi32, #tpu.memory_space<vmem>> -> memref<1x50xi32, #tpu.memory_space<vmem>>
      %dma_start3A_197 = tpu.memref_squeeze %dma_start3A_196 : memref<1x50xi32, #tpu.memory_space<vmem>> -> memref<50xi32, #tpu.memory_space<vmem>>
      %dma_start3A_198 = arith.constant 0 : i32
      %dma_start3A_199 = arith.constant 0 : i32
      %dma_start3A_200 = tpu.memref_slice %arg4[%dma_start3A_198, %dma_start3A_199] : memref<32320x1024xf32, #tpu.memory_space<hbm>> -> memref<32320x1024xf32, #tpu.memory_space<hbm>>
      tpu.enqueue_indirect_dma source(%dma_start3A_200 : memref<32320x1024xf32, #tpu.memory_space<hbm>>) target(%arg10 : memref<50x1024xf32, #tpu.memory_space<vmem>>) offsets(%dma_start3A_197 : memref<50xi32, #tpu.memory_space<vmem>>) semaphore(%arg12 : memref<!tpu.dma_semaphore, #tpu.memory_space<semaphore_mem>>)
    }
    %scan3A_20 = arith.constant 15 : i32
    %dma_wait3A = arith.constant 30 : i32
    %dma_wait3A_21 = arith.constant 0 : i32
    %dma_wait3A_22 = tpu.memref_slice %arg7[%dma_wait3A, %dma_wait3A_21] : memref<32x50xi32, #tpu.memory_space<vmem>> -> memref<1x50xi32, #tpu.memory_space<vmem>>
    %dma_wait3A_23 = tpu.memref_squeeze %dma_wait3A_22 : memref<1x50xi32, #tpu.memory_space<vmem>> -> memref<50xi32, #tpu.memory_space<vmem>>
    %dma_wait3A_24 = arith.constant 0 : i32
    %dma_wait3A_25 = arith.constant 0 : i32
    %dma_wait3A_26 = tpu.memref_slice %arg4[%dma_wait3A_24, %dma_wait3A_25] : memref<32320x1024xf32, #tpu.memory_space<hbm>> -> memref<32320x1024xf32, #tpu.memory_space<hbm>>
    tpu.wait_indirect_dma semaphore(%arg11 : memref<!tpu.dma_semaphore, #tpu.memory_space<semaphore_mem>>) src(%dma_wait3A_26 : memref<32320x1024xf32, #tpu.memory_space<hbm>>) dst(%arg9 : memref<50x1024xf32, #tpu.memory_space<vmem>>)
    %add3A_27 = arith.constant 30 : i32
    %add3A_28 = arith.addi %mul3A_2, %add3A_27 : i32
    "tpu.region"() ({
      %run_scoped3A = tpu.sem_alloc : memref<!tpu.dma_semaphore, #tpu.memory_space<semaphore_mem>>
      %dma_start3A_166 = arith.constant 0 : i32
      %dma_start3A_167 = arith.constant 0 : i32
      %dma_start3A_168 = tpu.memref_slice %arg9[%dma_start3A_166, %dma_start3A_167] : memref<50x1024xf32, #tpu.memory_space<vmem>> -> memref<48x1024xf32, #tpu.memory_space<vmem>>
      %dma_start3A_169 = arith.constant 0 : i32
      %dma_start3A_170 = arith.constant 0 : i32
      %dma_start3A_171 = tpu.memref_slice %arg5[%add3A_28, %dma_start3A_169, %dma_start3A_170] : memref<1024x50x1024xf32, #tpu.memory_space<hbm>> -> memref<1x48x1024xf32, #tpu.memory_space<hbm>>
      %dma_start3A_172 = tpu.memref_squeeze %dma_start3A_171 : memref<1x48x1024xf32, #tpu.memory_space<hbm>> -> memref<48x1024xf32, #tpu.memory_space<hbm>>
      %dma_start3A_173 = arith.constant 0 : i32
      %dma_start3A_174 = arith.constant 0 : i32
      %dma_start3A_175 = tpu.memref_slice %arg5[%add3A_28, %dma_start3A_173, %dma_start3A_174] : memref<1024x50x1024xf32, #tpu.memory_space<hbm>> -> memref<1x48x1024xf32, #tpu.memory_space<hbm>>
      %dma_start3A_176 = tpu.memref_squeeze %dma_start3A_175 : memref<1x48x1024xf32, #tpu.memory_space<hbm>> -> memref<48x1024xf32, #tpu.memory_space<hbm>>
      %dma_start3A_177 = arith.constant 0 : i32
      %dma_start3A_178 = arith.constant 0 : i32
      %dma_start3A_179 = tpu.memref_slice %arg9[%dma_start3A_177, %dma_start3A_178] : memref<50x1024xf32, #tpu.memory_space<vmem>> -> memref<48x1024xf32, #tpu.memory_space<vmem>>
      tpu.enqueue_dma source(%dma_start3A_179 : memref<48x1024xf32, #tpu.memory_space<vmem>>) target(%dma_start3A_176 : memref<48x1024xf32, #tpu.memory_space<hbm>>) target_semaphore(%run_scoped3A : memref<!tpu.dma_semaphore, #tpu.memory_space<semaphore_mem>>)
      %dma_wait3A_180 = arith.constant 0 : i32
      %dma_wait3A_181 = arith.constant 0 : i32
      %dma_wait3A_182 = tpu.memref_slice %arg9[%dma_wait3A_180, %dma_wait3A_181] : memref<50x1024xf32, #tpu.memory_space<vmem>> -> memref<48x1024xf32, #tpu.memory_space<vmem>>
      %dma_wait3A_183 = arith.constant 0 : i32
      %dma_wait3A_184 = arith.constant 0 : i32
      %dma_wait3A_185 = tpu.memref_slice %arg5[%add3A_28, %dma_wait3A_183, %dma_wait3A_184] : memref<1024x50x1024xf32, #tpu.memory_space<hbm>> -> memref<1x48x1024xf32, #tpu.memory_space<hbm>>
      %dma_wait3A_186 = tpu.memref_squeeze %dma_wait3A_185 : memref<1x48x1024xf32, #tpu.memory_space<hbm>> -> memref<48x1024xf32, #tpu.memory_space<hbm>>
      %dma_wait3A_187 = arith.constant 0 : i32
      %dma_wait3A_188 = arith.constant 0 : i32
      %dma_wait3A_189 = tpu.memref_slice %arg5[%add3A_28, %dma_wait3A_187, %dma_wait3A_188] : memref<1024x50x1024xf32, #tpu.memory_space<hbm>> -> memref<1x48x1024xf32, #tpu.memory_space<hbm>>
      %dma_wait3A_190 = tpu.memref_squeeze %dma_wait3A_189 : memref<1x48x1024xf32, #tpu.memory_space<hbm>> -> memref<48x1024xf32, #tpu.memory_space<hbm>>
      %dma_wait3A_191 = arith.constant 0 : i32
      %dma_wait3A_192 = arith.constant 0 : i32
      %dma_wait3A_193 = tpu.memref_slice %arg9[%dma_wait3A_191, %dma_wait3A_192] : memref<50x1024xf32, #tpu.memory_space<vmem>> -> memref<48x1024xf32, #tpu.memory_space<vmem>>
      tpu.wait_dma2 semaphore(%run_scoped3A : memref<!tpu.dma_semaphore, #tpu.memory_space<semaphore_mem>>) src(%dma_wait3A_193 : memref<48x1024xf32, #tpu.memory_space<vmem>>) dst(%dma_wait3A_190 : memref<48x1024xf32, #tpu.memory_space<hbm>>)
      tpu.yield
    }) : () -> ()
    %dma_wait3A_29 = arith.constant 31 : i32
    %dma_wait3A_30 = arith.constant 0 : i32
    %dma_wait3A_31 = tpu.memref_slice %arg7[%dma_wait3A_29, %dma_wait3A_30] : memref<32x50xi32, #tpu.memory_space<vmem>> -> memref<1x50xi32, #tpu.memory_space<vmem>>
    %dma_wait3A_32 = tpu.memref_squeeze %dma_wait3A_31 : memref<1x50xi32, #tpu.memory_space<vmem>> -> memref<50xi32, #tpu.memory_space<vmem>>
    %dma_wait3A_33 = arith.constant 0 : i32
    %dma_wait3A_34 = arith.constant 0 : i32
    %dma_wait3A_35 = tpu.memref_slice %arg4[%dma_wait3A_33, %dma_wait3A_34] : memref<32320x1024xf32, #tpu.memory_space<hbm>> -> memref<32320x1024xf32, #tpu.memory_space<hbm>>
    tpu.wait_indirect_dma semaphore(%arg12 : memref<!tpu.dma_semaphore, #tpu.memory_space<semaphore_mem>>) src(%dma_wait3A_35 : memref<32320x1024xf32, #tpu.memory_space<hbm>>) dst(%arg10 : memref<50x1024xf32, #tpu.memory_space<vmem>>)
    %add3A_36 = arith.constant 31 : i32
    %add3A_37 = arith.addi %mul3A_2, %add3A_36 : i32
    "tpu.region"() ({
      %run_scoped3A = tpu.sem_alloc : memref<!tpu.dma_semaphore, #tpu.memory_space<semaphore_mem>>
      %dma_start3A_166 = arith.constant 0 : i32
      %dma_start3A_167 = arith.constant 0 : i32
      %dma_start3A_168 = tpu.memref_slice %arg10[%dma_start3A_166, %dma_start3A_167] : memref<50x1024xf32, #tpu.memory_space<vmem>> -> memref<48x1024xf32, #tpu.memory_space<vmem>>
      %dma_start3A_169 = arith.constant 0 : i32
      %dma_start3A_170 = arith.constant 0 : i32
      %dma_start3A_171 = tpu.memref_slice %arg5[%add3A_37, %dma_start3A_169, %dma_start3A_170] : memref<1024x50x1024xf32, #tpu.memory_space<hbm>> -> memref<1x48x1024xf32, #tpu.memory_space<hbm>>
      %dma_start3A_172 = tpu.memref_squeeze %dma_start3A_171 : memref<1x48x1024xf32, #tpu.memory_space<hbm>> -> memref<48x1024xf32, #tpu.memory_space<hbm>>
      %dma_start3A_173 = arith.constant 0 : i32
      %dma_start3A_174 = arith.constant 0 : i32
      %dma_start3A_175 = tpu.memref_slice %arg5[%add3A_37, %dma_start3A_173, %dma_start3A_174] : memref<1024x50x1024xf32, #tpu.memory_space<hbm>> -> memref<1x48x1024xf32, #tpu.memory_space<hbm>>
      %dma_start3A_176 = tpu.memref_squeeze %dma_start3A_175 : memref<1x48x1024xf32, #tpu.memory_space<hbm>> -> memref<48x1024xf32, #tpu.memory_space<hbm>>
      %dma_start3A_177 = arith.constant 0 : i32
      %dma_start3A_178 = arith.constant 0 : i32
      %dma_start3A_179 = tpu.memref_slice %arg10[%dma_start3A_177, %dma_start3A_178] : memref<50x1024xf32, #tpu.memory_space<vmem>> -> memref<48x1024xf32, #tpu.memory_space<vmem>>
      tpu.enqueue_dma source(%dma_start3A_179 : memref<48x1024xf32, #tpu.memory_space<vmem>>) target(%dma_start3A_176 : memref<48x1024xf32, #tpu.memory_space<hbm>>) target_semaphore(%run_scoped3A : memref<!tpu.dma_semaphore, #tpu.memory_space<semaphore_mem>>)
      %dma_wait3A_180 = arith.constant 0 : i32
      %dma_wait3A_181 = arith.constant 0 : i32
      %dma_wait3A_182 = tpu.memref_slice %arg10[%dma_wait3A_180, %dma_wait3A_181] : memref<50x1024xf32, #tpu.memory_space<vmem>> -> memref<48x1024xf32, #tpu.memory_space<vmem>>
      %dma_wait3A_183 = arith.constant 0 : i32
      %dma_wait3A_184 = arith.constant 0 : i32
      %dma_wait3A_185 = tpu.memref_slice %arg5[%add3A_37, %dma_wait3A_183, %dma_wait3A_184] : memref<1024x50x1024xf32, #tpu.memory_space<hbm>> -> memref<1x48x1024xf32, #tpu.memory_space<hbm>>
      %dma_wait3A_186 = tpu.memref_squeeze %dma_wait3A_185 : memref<1x48x1024xf32, #tpu.memory_space<hbm>> -> memref<48x1024xf32, #tpu.memory_space<hbm>>
      %dma_wait3A_187 = arith.constant 0 : i32
      %dma_wait3A_188 = arith.constant 0 : i32
      %dma_wait3A_189 = tpu.memref_slice %arg5[%add3A_37, %dma_wait3A_187, %dma_wait3A_188] : memref<1024x50x1024xf32, #tpu.memory_space<hbm>> -> memref<1x48x1024xf32, #tpu.memory_space<hbm>>
      %dma_wait3A_190 = tpu.memref_squeeze %dma_wait3A_189 : memref<1x48x1024xf32, #tpu.memory_space<hbm>> -> memref<48x1024xf32, #tpu.memory_space<hbm>>
      %dma_wait3A_191 = arith.constant 0 : i32
      %dma_wait3A_192 = arith.constant 0 : i32
      %dma_wait3A_193 = tpu.memref_slice %arg10[%dma_wait3A_191, %dma_wait3A_192] : memref<50x1024xf32, #tpu.memory_space<vmem>> -> memref<48x1024xf32, #tpu.memory_space<vmem>>
      tpu.wait_dma2 semaphore(%run_scoped3A : memref<!tpu.dma_semaphore, #tpu.memory_space<semaphore_mem>>) src(%dma_wait3A_193 : memref<48x1024xf32, #tpu.memory_space<vmem>>) dst(%dma_wait3A_190 : memref<48x1024xf32, #tpu.memory_space<hbm>>)
      tpu.yield
    }) : () -> ()
    %dma_start3A_38 = arith.constant 0 : i32
    %dma_start3A_39 = arith.constant 0 : i32
    %dma_start3A_40 = tpu.memref_slice %arg9[%dma_start3A_38, %dma_start3A_39] : memref<50x1024xf32, #tpu.memory_space<vmem>> -> memref<8x1024xf32, #tpu.memory_space<vmem>>
    %dma_start3A_41 = arith.constant 0 : i32
    %dma_start3A_42 = tpu.memref_slice %arg8[%dma_start3A_41] : memref<64xi32, #tpu.memory_space<vmem>> -> memref<8xi32, #tpu.memory_space<vmem>>
    %dma_start3A_43 = arith.constant 0 : i32
    %dma_start3A_44 = arith.constant 0 : i32
    %dma_start3A_45 = tpu.memref_slice %arg4[%dma_start3A_43, %dma_start3A_44] : memref<32320x1024xf32, #tpu.memory_space<hbm>> -> memref<32320x1024xf32, #tpu.memory_space<hbm>>
    tpu.enqueue_indirect_dma source(%dma_start3A_45 : memref<32320x1024xf32, #tpu.memory_space<hbm>>) target(%dma_start3A_40 : memref<8x1024xf32, #tpu.memory_space<vmem>>) offsets(%dma_start3A_42 : memref<8xi32, #tpu.memory_space<vmem>>) semaphore(%arg11 : memref<!tpu.dma_semaphore, #tpu.memory_space<semaphore_mem>>)
    %dma_start3A_46 = arith.constant 0 : i32
    %dma_start3A_47 = arith.constant 0 : i32
    %dma_start3A_48 = tpu.memref_slice %arg10[%dma_start3A_46, %dma_start3A_47] : memref<50x1024xf32, #tpu.memory_space<vmem>> -> memref<8x1024xf32, #tpu.memory_space<vmem>>
    %dma_start3A_49 = arith.constant 8 : i32
    %dma_start3A_50 = tpu.memref_slice %arg8[%dma_start3A_49] : memref<64xi32, #tpu.memory_space<vmem>> -> memref<8xi32, #tpu.memory_space<vmem>>
    %dma_start3A_51 = arith.constant 0 : i32
    %dma_start3A_52 = arith.constant 0 : i32
    %dma_start3A_53 = tpu.memref_slice %arg4[%dma_start3A_51, %dma_start3A_52] : memref<32320x1024xf32, #tpu.memory_space<hbm>> -> memref<32320x1024xf32, #tpu.memory_space<hbm>>
    tpu.enqueue_indirect_dma source(%dma_start3A_53 : memref<32320x1024xf32, #tpu.memory_space<hbm>>) target(%dma_start3A_48 : memref<8x1024xf32, #tpu.memory_space<vmem>>) offsets(%dma_start3A_50 : memref<8xi32, #tpu.memory_space<vmem>>) semaphore(%arg12 : memref<!tpu.dma_semaphore, #tpu.memory_space<semaphore_mem>>)
    %dma_wait3A_54 = arith.constant 0 : i32
    %dma_wait3A_55 = arith.constant 0 : i32
    %dma_wait3A_56 = tpu.memref_slice %arg9[%dma_wait3A_54, %dma_wait3A_55] : memref<50x1024xf32, #tpu.memory_space<vmem>> -> memref<8x1024xf32, #tpu.memory_space<vmem>>
    %dma_wait3A_57 = arith.constant 0 : i32
    %dma_wait3A_58 = tpu.memref_slice %arg8[%dma_wait3A_57] : memref<64xi32, #tpu.memory_space<vmem>> -> memref<8xi32, #tpu.memory_space<vmem>>
    %dma_wait3A_59 = arith.constant 0 : i32
    %dma_wait3A_60 = arith.constant 0 : i32
    %dma_wait3A_61 = tpu.memref_slice %arg4[%dma_wait3A_59, %dma_wait3A_60] : memref<32320x1024xf32, #tpu.memory_space<hbm>> -> memref<32320x1024xf32, #tpu.memory_space<hbm>>
    tpu.wait_indirect_dma semaphore(%arg11 : memref<!tpu.dma_semaphore, #tpu.memory_space<semaphore_mem>>) src(%dma_wait3A_61 : memref<32320x1024xf32, #tpu.memory_space<hbm>>) dst(%dma_wait3A_56 : memref<8x1024xf32, #tpu.memory_space<vmem>>)
    "tpu.region"() ({
      %run_scoped3A = tpu.sem_alloc : memref<!tpu.dma_semaphore, #tpu.memory_space<semaphore_mem>>
      %dma_start3A_166 = arith.constant 0 : i32
      %dma_start3A_167 = arith.constant 0 : i32
      %dma_start3A_168 = tpu.memref_slice %arg9[%dma_start3A_166, %dma_start3A_167] : memref<50x1024xf32, #tpu.memory_space<vmem>> -> memref<8x1024xf32, #tpu.memory_space<vmem>>
      %dma_start3A_169 = arith.constant 0 : i32
      %dma_start3A_170 = arith.constant 0 : i32
      %dma_start3A_171 = tpu.memref_slice %arg6[%add3A, %dma_start3A_169, %dma_start3A_170] : memref<32x64x1024xf32, #tpu.memory_space<hbm>> -> memref<1x8x1024xf32, #tpu.memory_space<hbm>>
      %dma_start3A_172 = tpu.memref_squeeze %dma_start3A_171 : memref<1x8x1024xf32, #tpu.memory_space<hbm>> -> memref<8x1024xf32, #tpu.memory_space<hbm>>
      %dma_start3A_173 = arith.constant 0 : i32
      %dma_start3A_174 = arith.constant 0 : i32
      %dma_start3A_175 = tpu.memref_slice %arg6[%add3A, %dma_start3A_173, %dma_start3A_174] : memref<32x64x1024xf32, #tpu.memory_space<hbm>> -> memref<1x8x1024xf32, #tpu.memory_space<hbm>>
      %dma_start3A_176 = tpu.memref_squeeze %dma_start3A_175 : memref<1x8x1024xf32, #tpu.memory_space<hbm>> -> memref<8x1024xf32, #tpu.memory_space<hbm>>
      %dma_start3A_177 = arith.constant 0 : i32
      %dma_start3A_178 = arith.constant 0 : i32
      %dma_start3A_179 = tpu.memref_slice %arg9[%dma_start3A_177, %dma_start3A_178] : memref<50x1024xf32, #tpu.memory_space<vmem>> -> memref<8x1024xf32, #tpu.memory_space<vmem>>
      tpu.enqueue_dma source(%dma_start3A_179 : memref<8x1024xf32, #tpu.memory_space<vmem>>) target(%dma_start3A_176 : memref<8x1024xf32, #tpu.memory_space<hbm>>) target_semaphore(%run_scoped3A : memref<!tpu.dma_semaphore, #tpu.memory_space<semaphore_mem>>)
      %dma_wait3A_180 = arith.constant 0 : i32
      %dma_wait3A_181 = arith.constant 0 : i32
      %dma_wait3A_182 = tpu.memref_slice %arg9[%dma_wait3A_180, %dma_wait3A_181] : memref<50x1024xf32, #tpu.memory_space<vmem>> -> memref<8x1024xf32, #tpu.memory_space<vmem>>
      %dma_wait3A_183 = arith.constant 0 : i32
      %dma_wait3A_184 = arith.constant 0 : i32
      %dma_wait3A_185 = tpu.memref_slice %arg6[%add3A, %dma_wait3A_183, %dma_wait3A_184] : memref<32x64x1024xf32, #tpu.memory_space<hbm>> -> memref<1x8x1024xf32, #tpu.memory_space<hbm>>
      %dma_wait3A_186 = tpu.memref_squeeze %dma_wait3A_185 : memref<1x8x1024xf32, #tpu.memory_space<hbm>> -> memref<8x1024xf32, #tpu.memory_space<hbm>>
      %dma_wait3A_187 = arith.constant 0 : i32
      %dma_wait3A_188 = arith.constant 0 : i32
      %dma_wait3A_189 = tpu.memref_slice %arg6[%add3A, %dma_wait3A_187, %dma_wait3A_188] : memref<32x64x1024xf32, #tpu.memory_space<hbm>> -> memref<1x8x1024xf32, #tpu.memory_space<hbm>>
      %dma_wait3A_190 = tpu.memref_squeeze %dma_wait3A_189 : memref<1x8x1024xf32, #tpu.memory_space<hbm>> -> memref<8x1024xf32, #tpu.memory_space<hbm>>
      %dma_wait3A_191 = arith.constant 0 : i32
      %dma_wait3A_192 = arith.constant 0 : i32
      %dma_wait3A_193 = tpu.memref_slice %arg9[%dma_wait3A_191, %dma_wait3A_192] : memref<50x1024xf32, #tpu.memory_space<vmem>> -> memref<8x1024xf32, #tpu.memory_space<vmem>>
      tpu.wait_dma2 semaphore(%run_scoped3A : memref<!tpu.dma_semaphore, #tpu.memory_space<semaphore_mem>>) src(%dma_wait3A_193 : memref<8x1024xf32, #tpu.memory_space<vmem>>) dst(%dma_wait3A_190 : memref<8x1024xf32, #tpu.memory_space<hbm>>)
      tpu.yield
    }) : () -> ()
    %dma_start3A_62 = arith.constant 0 : i32
    %dma_start3A_63 = arith.constant 0 : i32
    %dma_start3A_64 = tpu.memref_slice %arg9[%dma_start3A_62, %dma_start3A_63] : memref<50x1024xf32, #tpu.memory_space<vmem>> -> memref<8x1024xf32, #tpu.memory_space<vmem>>
    %dma_start3A_65 = arith.constant 16 : i32
    %dma_start3A_66 = tpu.memref_slice %arg8[%dma_start3A_65] : memref<64xi32, #tpu.memory_space<vmem>> -> memref<8xi32, #tpu.memory_space<vmem>>
    %dma_start3A_67 = arith.constant 0 : i32
    %dma_start3A_68 = arith.constant 0 : i32
    %dma_start3A_69 = tpu.memref_slice %arg4[%dma_start3A_67, %dma_start3A_68] : memref<32320x1024xf32, #tpu.memory_space<hbm>> -> memref<32320x1024xf32, #tpu.memory_space<hbm>>
    tpu.enqueue_indirect_dma source(%dma_start3A_69 : memref<32320x1024xf32, #tpu.memory_space<hbm>>) target(%dma_start3A_64 : memref<8x1024xf32, #tpu.memory_space<vmem>>) offsets(%dma_start3A_66 : memref<8xi32, #tpu.memory_space<vmem>>) semaphore(%arg11 : memref<!tpu.dma_semaphore, #tpu.memory_space<semaphore_mem>>)
    %dma_wait3A_70 = arith.constant 0 : i32
    %dma_wait3A_71 = arith.constant 0 : i32
    %dma_wait3A_72 = tpu.memref_slice %arg10[%dma_wait3A_70, %dma_wait3A_71] : memref<50x1024xf32, #tpu.memory_space<vmem>> -> memref<8x1024xf32, #tpu.memory_space<vmem>>
    %dma_wait3A_73 = arith.constant 8 : i32
    %dma_wait3A_74 = tpu.memref_slice %arg8[%dma_wait3A_73] : memref<64xi32, #tpu.memory_space<vmem>> -> memref<8xi32, #tpu.memory_space<vmem>>
    %dma_wait3A_75 = arith.constant 0 : i32
    %dma_wait3A_76 = arith.constant 0 : i32
    %dma_wait3A_77 = tpu.memref_slice %arg4[%dma_wait3A_75, %dma_wait3A_76] : memref<32320x1024xf32, #tpu.memory_space<hbm>> -> memref<32320x1024xf32, #tpu.memory_space<hbm>>
    tpu.wait_indirect_dma semaphore(%arg12 : memref<!tpu.dma_semaphore, #tpu.memory_space<semaphore_mem>>) src(%dma_wait3A_77 : memref<32320x1024xf32, #tpu.memory_space<hbm>>) dst(%dma_wait3A_72 : memref<8x1024xf32, #tpu.memory_space<vmem>>)
    "tpu.region"() ({
      %run_scoped3A = tpu.sem_alloc : memref<!tpu.dma_semaphore, #tpu.memory_space<semaphore_mem>>
      %dma_start3A_166 = arith.constant 0 : i32
      %dma_start3A_167 = arith.constant 0 : i32
      %dma_start3A_168 = tpu.memref_slice %arg10[%dma_start3A_166, %dma_start3A_167] : memref<50x1024xf32, #tpu.memory_space<vmem>> -> memref<8x1024xf32, #tpu.memory_space<vmem>>
      %dma_start3A_169 = arith.constant 8 : i32
      %dma_start3A_170 = arith.constant 0 : i32
      %dma_start3A_171 = tpu.memref_slice %arg6[%add3A, %dma_start3A_169, %dma_start3A_170] : memref<32x64x1024xf32, #tpu.memory_space<hbm>> -> memref<1x8x1024xf32, #tpu.memory_space<hbm>>
      %dma_start3A_172 = tpu.memref_squeeze %dma_start3A_171 : memref<1x8x1024xf32, #tpu.memory_space<hbm>> -> memref<8x1024xf32, #tpu.memory_space<hbm>>
      %dma_start3A_173 = arith.constant 8 : i32
      %dma_start3A_174 = arith.constant 0 : i32
      %dma_start3A_175 = tpu.memref_slice %arg6[%add3A, %dma_start3A_173, %dma_start3A_174] : memref<32x64x1024xf32, #tpu.memory_space<hbm>> -> memref<1x8x1024xf32, #tpu.memory_space<hbm>>
      %dma_start3A_176 = tpu.memref_squeeze %dma_start3A_175 : memref<1x8x1024xf32, #tpu.memory_space<hbm>> -> memref<8x1024xf32, #tpu.memory_space<hbm>>
      %dma_start3A_177 = arith.constant 0 : i32
      %dma_start3A_178 = arith.constant 0 : i32
      %dma_start3A_179 = tpu.memref_slice %arg10[%dma_start3A_177, %dma_start3A_178] : memref<50x1024xf32, #tpu.memory_space<vmem>> -> memref<8x1024xf32, #tpu.memory_space<vmem>>
      tpu.enqueue_dma source(%dma_start3A_179 : memref<8x1024xf32, #tpu.memory_space<vmem>>) target(%dma_start3A_176 : memref<8x1024xf32, #tpu.memory_space<hbm>>) target_semaphore(%run_scoped3A : memref<!tpu.dma_semaphore, #tpu.memory_space<semaphore_mem>>)
      %dma_wait3A_180 = arith.constant 0 : i32
      %dma_wait3A_181 = arith.constant 0 : i32
      %dma_wait3A_182 = tpu.memref_slice %arg10[%dma_wait3A_180, %dma_wait3A_181] : memref<50x1024xf32, #tpu.memory_space<vmem>> -> memref<8x1024xf32, #tpu.memory_space<vmem>>
      %dma_wait3A_183 = arith.constant 8 : i32
      %dma_wait3A_184 = arith.constant 0 : i32
      %dma_wait3A_185 = tpu.memref_slice %arg6[%add3A, %dma_wait3A_183, %dma_wait3A_184] : memref<32x64x1024xf32, #tpu.memory_space<hbm>> -> memref<1x8x1024xf32, #tpu.memory_space<hbm>>
      %dma_wait3A_186 = tpu.memref_squeeze %dma_wait3A_185 : memref<1x8x1024xf32, #tpu.memory_space<hbm>> -> memref<8x1024xf32, #tpu.memory_space<hbm>>
      %dma_wait3A_187 = arith.constant 8 : i32
      %dma_wait3A_188 = arith.constant 0 : i32
      %dma_wait3A_189 = tpu.memref_slice %arg6[%add3A, %dma_wait3A_187, %dma_wait3A_188] : memref<32x64x1024xf32, #tpu.memory_space<hbm>> -> memref<1x8x1024xf32, #tpu.memory_space<hbm>>
      %dma_wait3A_190 = tpu.memref_squeeze %dma_wait3A_189 : memref<1x8x1024xf32, #tpu.memory_space<hbm>> -> memref<8x1024xf32, #tpu.memory_space<hbm>>
      %dma_wait3A_191 = arith.constant 0 : i32
      %dma_wait3A_192 = arith.constant 0 : i32
      %dma_wait3A_193 = tpu.memref_slice %arg10[%dma_wait3A_191, %dma_wait3A_192] : memref<50x1024xf32, #tpu.memory_space<vmem>> -> memref<8x1024xf32, #tpu.memory_space<vmem>>
      tpu.wait_dma2 semaphore(%run_scoped3A : memref<!tpu.dma_semaphore, #tpu.memory_space<semaphore_mem>>) src(%dma_wait3A_193 : memref<8x1024xf32, #tpu.memory_space<vmem>>) dst(%dma_wait3A_190 : memref<8x1024xf32, #tpu.memory_space<hbm>>)
      tpu.yield
    }) : () -> ()
    %dma_start3A_78 = arith.constant 0 : i32
    %dma_start3A_79 = arith.constant 0 : i32
    %dma_start3A_80 = tpu.memref_slice %arg10[%dma_start3A_78, %dma_start3A_79] : memref<50x1024xf32, #tpu.memory_space<vmem>> -> memref<8x1024xf32, #tpu.memory_space<vmem>>
    %dma_start3A_81 = arith.constant 24 : i32
    %dma_start3A_82 = tpu.memref_slice %arg8[%dma_start3A_81] : memref<64xi32, #tpu.memory_space<vmem>> -> memref<8xi32, #tpu.memory_space<vmem>>
    %dma_start3A_83 = arith.constant 0 : i32
    %dma_start3A_84 = arith.constant 0 : i32
    %dma_start3A_85 = tpu.memref_slice %arg4[%dma_start3A_83, %dma_start3A_84] : memref<32320x1024xf32, #tpu.memory_space<hbm>> -> memref<32320x1024xf32, #tpu.memory_space<hbm>>
    tpu.enqueue_indirect_dma source(%dma_start3A_85 : memref<32320x1024xf32, #tpu.memory_space<hbm>>) target(%dma_start3A_80 : memref<8x1024xf32, #tpu.memory_space<vmem>>) offsets(%dma_start3A_82 : memref<8xi32, #tpu.memory_space<vmem>>) semaphore(%arg12 : memref<!tpu.dma_semaphore, #tpu.memory_space<semaphore_mem>>)
    %dma_wait3A_86 = arith.constant 0 : i32
    %dma_wait3A_87 = arith.constant 0 : i32
    %dma_wait3A_88 = tpu.memref_slice %arg9[%dma_wait3A_86, %dma_wait3A_87] : memref<50x1024xf32, #tpu.memory_space<vmem>> -> memref<8x1024xf32, #tpu.memory_space<vmem>>
    %dma_wait3A_89 = arith.constant 16 : i32
    %dma_wait3A_90 = tpu.memref_slice %arg8[%dma_wait3A_89] : memref<64xi32, #tpu.memory_space<vmem>> -> memref<8xi32, #tpu.memory_space<vmem>>
    %dma_wait3A_91 = arith.constant 0 : i32
    %dma_wait3A_92 = arith.constant 0 : i32
    %dma_wait3A_93 = tpu.memref_slice %arg4[%dma_wait3A_91, %dma_wait3A_92] : memref<32320x1024xf32, #tpu.memory_space<hbm>> -> memref<32320x1024xf32, #tpu.memory_space<hbm>>
    tpu.wait_indirect_dma semaphore(%arg11 : memref<!tpu.dma_semaphore, #tpu.memory_space<semaphore_mem>>) src(%dma_wait3A_93 : memref<32320x1024xf32, #tpu.memory_space<hbm>>) dst(%dma_wait3A_88 : memref<8x1024xf32, #tpu.memory_space<vmem>>)
    "tpu.region"() ({
      %run_scoped3A = tpu.sem_alloc : memref<!tpu.dma_semaphore, #tpu.memory_space<semaphore_mem>>
      %dma_start3A_166 = arith.constant 0 : i32
      %dma_start3A_167 = arith.constant 0 : i32
      %dma_start3A_168 = tpu.memref_slice %arg9[%dma_start3A_166, %dma_start3A_167] : memref<50x1024xf32, #tpu.memory_space<vmem>> -> memref<8x1024xf32, #tpu.memory_space<vmem>>
      %dma_start3A_169 = arith.constant 16 : i32
      %dma_start3A_170 = arith.constant 0 : i32
      %dma_start3A_171 = tpu.memref_slice %arg6[%add3A, %dma_start3A_169, %dma_start3A_170] : memref<32x64x1024xf32, #tpu.memory_space<hbm>> -> memref<1x8x1024xf32, #tpu.memory_space<hbm>>
      %dma_start3A_172 = tpu.memref_squeeze %dma_start3A_171 : memref<1x8x1024xf32, #tpu.memory_space<hbm>> -> memref<8x1024xf32, #tpu.memory_space<hbm>>
      %dma_start3A_173 = arith.constant 16 : i32
      %dma_start3A_174 = arith.constant 0 : i32
      %dma_start3A_175 = tpu.memref_slice %arg6[%add3A, %dma_start3A_173, %dma_start3A_174] : memref<32x64x1024xf32, #tpu.memory_space<hbm>> -> memref<1x8x1024xf32, #tpu.memory_space<hbm>>
      %dma_start3A_176 = tpu.memref_squeeze %dma_start3A_175 : memref<1x8x1024xf32, #tpu.memory_space<hbm>> -> memref<8x1024xf32, #tpu.memory_space<hbm>>
      %dma_start3A_177 = arith.constant 0 : i32
      %dma_start3A_178 = arith.constant 0 : i32
      %dma_start3A_179 = tpu.memref_slice %arg9[%dma_start3A_177, %dma_start3A_178] : memref<50x1024xf32, #tpu.memory_space<vmem>> -> memref<8x1024xf32, #tpu.memory_space<vmem>>
      tpu.enqueue_dma source(%dma_start3A_179 : memref<8x1024xf32, #tpu.memory_space<vmem>>) target(%dma_start3A_176 : memref<8x1024xf32, #tpu.memory_space<hbm>>) target_semaphore(%run_scoped3A : memref<!tpu.dma_semaphore, #tpu.memory_space<semaphore_mem>>)
      %dma_wait3A_180 = arith.constant 0 : i32
      %dma_wait3A_181 = arith.constant 0 : i32
      %dma_wait3A_182 = tpu.memref_slice %arg9[%dma_wait3A_180, %dma_wait3A_181] : memref<50x1024xf32, #tpu.memory_space<vmem>> -> memref<8x1024xf32, #tpu.memory_space<vmem>>
      %dma_wait3A_183 = arith.constant 16 : i32
      %dma_wait3A_184 = arith.constant 0 : i32
      %dma_wait3A_185 = tpu.memref_slice %arg6[%add3A, %dma_wait3A_183, %dma_wait3A_184] : memref<32x64x1024xf32, #tpu.memory_space<hbm>> -> memref<1x8x1024xf32, #tpu.memory_space<hbm>>
      %dma_wait3A_186 = tpu.memref_squeeze %dma_wait3A_185 : memref<1x8x1024xf32, #tpu.memory_space<hbm>> -> memref<8x1024xf32, #tpu.memory_space<hbm>>
      %dma_wait3A_187 = arith.constant 16 : i32
      %dma_wait3A_188 = arith.constant 0 : i32
      %dma_wait3A_189 = tpu.memref_slice %arg6[%add3A, %dma_wait3A_187, %dma_wait3A_188] : memref<32x64x1024xf32, #tpu.memory_space<hbm>> -> memref<1x8x1024xf32, #tpu.memory_space<hbm>>
      %dma_wait3A_190 = tpu.memref_squeeze %dma_wait3A_189 : memref<1x8x1024xf32, #tpu.memory_space<hbm>> -> memref<8x1024xf32, #tpu.memory_space<hbm>>
      %dma_wait3A_191 = arith.constant 0 : i32
      %dma_wait3A_192 = arith.constant 0 : i32
      %dma_wait3A_193 = tpu.memref_slice %arg9[%dma_wait3A_191, %dma_wait3A_192] : memref<50x1024xf32, #tpu.memory_space<vmem>> -> memref<8x1024xf32, #tpu.memory_space<vmem>>
      tpu.wait_dma2 semaphore(%run_scoped3A : memref<!tpu.dma_semaphore, #tpu.memory_space<semaphore_mem>>) src(%dma_wait3A_193 : memref<8x1024xf32, #tpu.memory_space<vmem>>) dst(%dma_wait3A_190 : memref<8x1024xf32, #tpu.memory_space<hbm>>)
      tpu.yield
    }) : () -> ()
    %dma_start3A_94 = arith.constant 0 : i32
    %dma_start3A_95 = arith.constant 0 : i32
    %dma_start3A_96 = tpu.memref_slice %arg9[%dma_start3A_94, %dma_start3A_95] : memref<50x1024xf32, #tpu.memory_space<vmem>> -> memref<8x1024xf32, #tpu.memory_space<vmem>>
    %dma_start3A_97 = arith.constant 32 : i32
    %dma_start3A_98 = tpu.memref_slice %arg8[%dma_start3A_97] : memref<64xi32, #tpu.memory_space<vmem>> -> memref<8xi32, #tpu.memory_space<vmem>>
    %dma_start3A_99 = arith.constant 0 : i32
    %dma_start3A_100 = arith.constant 0 : i32
    %dma_start3A_101 = tpu.memref_slice %arg4[%dma_start3A_99, %dma_start3A_100] : memref<32320x1024xf32, #tpu.memory_space<hbm>> -> memref<32320x1024xf32, #tpu.memory_space<hbm>>
    tpu.enqueue_indirect_dma source(%dma_start3A_101 : memref<32320x1024xf32, #tpu.memory_space<hbm>>) target(%dma_start3A_96 : memref<8x1024xf32, #tpu.memory_space<vmem>>) offsets(%dma_start3A_98 : memref<8xi32, #tpu.memory_space<vmem>>) semaphore(%arg11 : memref<!tpu.dma_semaphore, #tpu.memory_space<semaphore_mem>>)
    %dma_wait3A_102 = arith.constant 0 : i32
    %dma_wait3A_103 = arith.constant 0 : i32
    %dma_wait3A_104 = tpu.memref_slice %arg10[%dma_wait3A_102, %dma_wait3A_103] : memref<50x1024xf32, #tpu.memory_space<vmem>> -> memref<8x1024xf32, #tpu.memory_space<vmem>>
    %dma_wait3A_105 = arith.constant 24 : i32
    %dma_wait3A_106 = tpu.memref_slice %arg8[%dma_wait3A_105] : memref<64xi32, #tpu.memory_space<vmem>> -> memref<8xi32, #tpu.memory_space<vmem>>
    %dma_wait3A_107 = arith.constant 0 : i32
    %dma_wait3A_108 = arith.constant 0 : i32
    %dma_wait3A_109 = tpu.memref_slice %arg4[%dma_wait3A_107, %dma_wait3A_108] : memref<32320x1024xf32, #tpu.memory_space<hbm>> -> memref<32320x1024xf32, #tpu.memory_space<hbm>>
    tpu.wait_indirect_dma semaphore(%arg12 : memref<!tpu.dma_semaphore, #tpu.memory_space<semaphore_mem>>) src(%dma_wait3A_109 : memref<32320x1024xf32, #tpu.memory_space<hbm>>) dst(%dma_wait3A_104 : memref<8x1024xf32, #tpu.memory_space<vmem>>)
    "tpu.region"() ({
      %run_scoped3A = tpu.sem_alloc : memref<!tpu.dma_semaphore, #tpu.memory_space<semaphore_mem>>
      %dma_start3A_166 = arith.constant 0 : i32
      %dma_start3A_167 = arith.constant 0 : i32
      %dma_start3A_168 = tpu.memref_slice %arg10[%dma_start3A_166, %dma_start3A_167] : memref<50x1024xf32, #tpu.memory_space<vmem>> -> memref<8x1024xf32, #tpu.memory_space<vmem>>
      %dma_start3A_169 = arith.constant 24 : i32
      %dma_start3A_170 = arith.constant 0 : i32
      %dma_start3A_171 = tpu.memref_slice %arg6[%add3A, %dma_start3A_169, %dma_start3A_170] : memref<32x64x1024xf32, #tpu.memory_space<hbm>> -> memref<1x8x1024xf32, #tpu.memory_space<hbm>>
      %dma_start3A_172 = tpu.memref_squeeze %dma_start3A_171 : memref<1x8x1024xf32, #tpu.memory_space<hbm>> -> memref<8x1024xf32, #tpu.memory_space<hbm>>
      %dma_start3A_173 = arith.constant 24 : i32
      %dma_start3A_174 = arith.constant 0 : i32
      %dma_start3A_175 = tpu.memref_slice %arg6[%add3A, %dma_start3A_173, %dma_start3A_174] : memref<32x64x1024xf32, #tpu.memory_space<hbm>> -> memref<1x8x1024xf32, #tpu.memory_space<hbm>>
      %dma_start3A_176 = tpu.memref_squeeze %dma_start3A_175 : memref<1x8x1024xf32, #tpu.memory_space<hbm>> -> memref<8x1024xf32, #tpu.memory_space<hbm>>
      %dma_start3A_177 = arith.constant 0 : i32
      %dma_start3A_178 = arith.constant 0 : i32
      %dma_start3A_179 = tpu.memref_slice %arg10[%dma_start3A_177, %dma_start3A_178] : memref<50x1024xf32, #tpu.memory_space<vmem>> -> memref<8x1024xf32, #tpu.memory_space<vmem>>
      tpu.enqueue_dma source(%dma_start3A_179 : memref<8x1024xf32, #tpu.memory_space<vmem>>) target(%dma_start3A_176 : memref<8x1024xf32, #tpu.memory_space<hbm>>) target_semaphore(%run_scoped3A : memref<!tpu.dma_semaphore, #tpu.memory_space<semaphore_mem>>)
      %dma_wait3A_180 = arith.constant 0 : i32
      %dma_wait3A_181 = arith.constant 0 : i32
      %dma_wait3A_182 = tpu.memref_slice %arg10[%dma_wait3A_180, %dma_wait3A_181] : memref<50x1024xf32, #tpu.memory_space<vmem>> -> memref<8x1024xf32, #tpu.memory_space<vmem>>
      %dma_wait3A_183 = arith.constant 24 : i32
      %dma_wait3A_184 = arith.constant 0 : i32
      %dma_wait3A_185 = tpu.memref_slice %arg6[%add3A, %dma_wait3A_183, %dma_wait3A_184] : memref<32x64x1024xf32, #tpu.memory_space<hbm>> -> memref<1x8x1024xf32, #tpu.memory_space<hbm>>
      %dma_wait3A_186 = tpu.memref_squeeze %dma_wait3A_185 : memref<1x8x1024xf32, #tpu.memory_space<hbm>> -> memref<8x1024xf32, #tpu.memory_space<hbm>>
      %dma_wait3A_187 = arith.constant 24 : i32
      %dma_wait3A_188 = arith.constant 0 : i32
      %dma_wait3A_189 = tpu.memref_slice %arg6[%add3A, %dma_wait3A_187, %dma_wait3A_188] : memref<32x64x1024xf32, #tpu.memory_space<hbm>> -> memref<1x8x1024xf32, #tpu.memory_space<hbm>>
      %dma_wait3A_190 = tpu.memref_squeeze %dma_wait3A_189 : memref<1x8x1024xf32, #tpu.memory_space<hbm>> -> memref<8x1024xf32, #tpu.memory_space<hbm>>
      %dma_wait3A_191 = arith.constant 0 : i32
      %dma_wait3A_192 = arith.constant 0 : i32
      %dma_wait3A_193 = tpu.memref_slice %arg10[%dma_wait3A_191, %dma_wait3A_192] : memref<50x1024xf32, #tpu.memory_space<vmem>> -> memref<8x1024xf32, #tpu.memory_space<vmem>>
      tpu.wait_dma2 semaphore(%run_scoped3A : memref<!tpu.dma_semaphore, #tpu.memory_space<semaphore_mem>>) src(%dma_wait3A_193 : memref<8x1024xf32, #tpu.memory_space<vmem>>) dst(%dma_wait3A_190 : memref<8x1024xf32, #tpu.memory_space<hbm>>)
      tpu.yield
    }) : () -> ()
    %dma_start3A_110 = arith.constant 0 : i32
    %dma_start3A_111 = arith.constant 0 : i32
    %dma_start3A_112 = tpu.memref_slice %arg10[%dma_start3A_110, %dma_start3A_111] : memref<50x1024xf32, #tpu.memory_space<vmem>> -> memref<8x1024xf32, #tpu.memory_space<vmem>>
    %dma_start3A_113 = arith.constant 40 : i32
    %dma_start3A_114 = tpu.memref_slice %arg8[%dma_start3A_113] : memref<64xi32, #tpu.memory_space<vmem>> -> memref<8xi32, #tpu.memory_space<vmem>>
    %dma_start3A_115 = arith.constant 0 : i32
    %dma_start3A_116 = arith.constant 0 : i32
    %dma_start3A_117 = tpu.memref_slice %arg4[%dma_start3A_115, %dma_start3A_116] : memref<32320x1024xf32, #tpu.memory_space<hbm>> -> memref<32320x1024xf32, #tpu.memory_space<hbm>>
    tpu.enqueue_indirect_dma source(%dma_start3A_117 : memref<32320x1024xf32, #tpu.memory_space<hbm>>) target(%dma_start3A_112 : memref<8x1024xf32, #tpu.memory_space<vmem>>) offsets(%dma_start3A_114 : memref<8xi32, #tpu.memory_space<vmem>>) semaphore(%arg12 : memref<!tpu.dma_semaphore, #tpu.memory_space<semaphore_mem>>)
    %dma_wait3A_118 = arith.constant 0 : i32
    %dma_wait3A_119 = arith.constant 0 : i32
    %dma_wait3A_120 = tpu.memref_slice %arg9[%dma_wait3A_118, %dma_wait3A_119] : memref<50x1024xf32, #tpu.memory_space<vmem>> -> memref<8x1024xf32, #tpu.memory_space<vmem>>
    %dma_wait3A_121 = arith.constant 32 : i32
    %dma_wait3A_122 = tpu.memref_slice %arg8[%dma_wait3A_121] : memref<64xi32, #tpu.memory_space<vmem>> -> memref<8xi32, #tpu.memory_space<vmem>>
    %dma_wait3A_123 = arith.constant 0 : i32
    %dma_wait3A_124 = arith.constant 0 : i32
    %dma_wait3A_125 = tpu.memref_slice %arg4[%dma_wait3A_123, %dma_wait3A_124] : memref<32320x1024xf32, #tpu.memory_space<hbm>> -> memref<32320x1024xf32, #tpu.memory_space<hbm>>
    tpu.wait_indirect_dma semaphore(%arg11 : memref<!tpu.dma_semaphore, #tpu.memory_space<semaphore_mem>>) src(%dma_wait3A_125 : memref<32320x1024xf32, #tpu.memory_space<hbm>>) dst(%dma_wait3A_120 : memref<8x1024xf32, #tpu.memory_space<vmem>>)
    "tpu.region"() ({
      %run_scoped3A = tpu.sem_alloc : memref<!tpu.dma_semaphore, #tpu.memory_space<semaphore_mem>>
      %dma_start3A_166 = arith.constant 0 : i32
      %dma_start3A_167 = arith.constant 0 : i32
      %dma_start3A_168 = tpu.memref_slice %arg9[%dma_start3A_166, %dma_start3A_167] : memref<50x1024xf32, #tpu.memory_space<vmem>> -> memref<8x1024xf32, #tpu.memory_space<vmem>>
      %dma_start3A_169 = arith.constant 32 : i32
      %dma_start3A_170 = arith.constant 0 : i32
      %dma_start3A_171 = tpu.memref_slice %arg6[%add3A, %dma_start3A_169, %dma_start3A_170] : memref<32x64x1024xf32, #tpu.memory_space<hbm>> -> memref<1x8x1024xf32, #tpu.memory_space<hbm>>
      %dma_start3A_172 = tpu.memref_squeeze %dma_start3A_171 : memref<1x8x1024xf32, #tpu.memory_space<hbm>> -> memref<8x1024xf32, #tpu.memory_space<hbm>>
      %dma_start3A_173 = arith.constant 32 : i32
      %dma_start3A_174 = arith.constant 0 : i32
      %dma_start3A_175 = tpu.memref_slice %arg6[%add3A, %dma_start3A_173, %dma_start3A_174] : memref<32x64x1024xf32, #tpu.memory_space<hbm>> -> memref<1x8x1024xf32, #tpu.memory_space<hbm>>
      %dma_start3A_176 = tpu.memref_squeeze %dma_start3A_175 : memref<1x8x1024xf32, #tpu.memory_space<hbm>> -> memref<8x1024xf32, #tpu.memory_space<hbm>>
      %dma_start3A_177 = arith.constant 0 : i32
      %dma_start3A_178 = arith.constant 0 : i32
      %dma_start3A_179 = tpu.memref_slice %arg9[%dma_start3A_177, %dma_start3A_178] : memref<50x1024xf32, #tpu.memory_space<vmem>> -> memref<8x1024xf32, #tpu.memory_space<vmem>>
      tpu.enqueue_dma source(%dma_start3A_179 : memref<8x1024xf32, #tpu.memory_space<vmem>>) target(%dma_start3A_176 : memref<8x1024xf32, #tpu.memory_space<hbm>>) target_semaphore(%run_scoped3A : memref<!tpu.dma_semaphore, #tpu.memory_space<semaphore_mem>>)
      %dma_wait3A_180 = arith.constant 0 : i32
      %dma_wait3A_181 = arith.constant 0 : i32
      %dma_wait3A_182 = tpu.memref_slice %arg9[%dma_wait3A_180, %dma_wait3A_181] : memref<50x1024xf32, #tpu.memory_space<vmem>> -> memref<8x1024xf32, #tpu.memory_space<vmem>>
      %dma_wait3A_183 = arith.constant 32 : i32
      %dma_wait3A_184 = arith.constant 0 : i32
      %dma_wait3A_185 = tpu.memref_slice %arg6[%add3A, %dma_wait3A_183, %dma_wait3A_184] : memref<32x64x1024xf32, #tpu.memory_space<hbm>> -> memref<1x8x1024xf32, #tpu.memory_space<hbm>>
      %dma_wait3A_186 = tpu.memref_squeeze %dma_wait3A_185 : memref<1x8x1024xf32, #tpu.memory_space<hbm>> -> memref<8x1024xf32, #tpu.memory_space<hbm>>
      %dma_wait3A_187 = arith.constant 32 : i32
      %dma_wait3A_188 = arith.constant 0 : i32
      %dma_wait3A_189 = tpu.memref_slice %arg6[%add3A, %dma_wait3A_187, %dma_wait3A_188] : memref<32x64x1024xf32, #tpu.memory_space<hbm>> -> memref<1x8x1024xf32, #tpu.memory_space<hbm>>
      %dma_wait3A_190 = tpu.memref_squeeze %dma_wait3A_189 : memref<1x8x1024xf32, #tpu.memory_space<hbm>> -> memref<8x1024xf32, #tpu.memory_space<hbm>>
      %dma_wait3A_191 = arith.constant 0 : i32
      %dma_wait3A_192 = arith.constant 0 : i32
      %dma_wait3A_193 = tpu.memref_slice %arg9[%dma_wait3A_191, %dma_wait3A_192] : memref<50x1024xf32, #tpu.memory_space<vmem>> -> memref<8x1024xf32, #tpu.memory_space<vmem>>
      tpu.wait_dma2 semaphore(%run_scoped3A : memref<!tpu.dma_semaphore, #tpu.memory_space<semaphore_mem>>) src(%dma_wait3A_193 : memref<8x1024xf32, #tpu.memory_space<vmem>>) dst(%dma_wait3A_190 : memref<8x1024xf32, #tpu.memory_space<hbm>>)
      tpu.yield
    }) : () -> ()
    %dma_start3A_126 = arith.constant 0 : i32
    %dma_start3A_127 = arith.constant 0 : i32
    %dma_start3A_128 = tpu.memref_slice %arg9[%dma_start3A_126, %dma_start3A_127] : memref<50x1024xf32, #tpu.memory_space<vmem>> -> memref<8x1024xf32, #tpu.memory_space<vmem>>
    %dma_start3A_129 = arith.constant 48 : i32
    %dma_start3A_130 = tpu.memref_slice %arg8[%dma_start3A_129] : memref<64xi32, #tpu.memory_space<vmem>> -> memref<8xi32, #tpu.memory_space<vmem>>
    %dma_start3A_131 = arith.constant 0 : i32
    %dma_start3A_132 = arith.constant 0 : i32
    %dma_start3A_133 = tpu.memref_slice %arg4[%dma_start3A_131, %dma_start3A_132] : memref<32320x1024xf32, #tpu.memory_space<hbm>> -> memref<32320x1024xf32, #tpu.memory_space<hbm>>
    tpu.enqueue_indirect_dma source(%dma_start3A_133 : memref<32320x1024xf32, #tpu.memory_space<hbm>>) target(%dma_start3A_128 : memref<8x1024xf32, #tpu.memory_space<vmem>>) offsets(%dma_start3A_130 : memref<8xi32, #tpu.memory_space<vmem>>) semaphore(%arg11 : memref<!tpu.dma_semaphore, #tpu.memory_space<semaphore_mem>>)
    %dma_wait3A_134 = arith.constant 0 : i32
    %dma_wait3A_135 = arith.constant 0 : i32
    %dma_wait3A_136 = tpu.memref_slice %arg10[%dma_wait3A_134, %dma_wait3A_135] : memref<50x1024xf32, #tpu.memory_space<vmem>> -> memref<8x1024xf32, #tpu.memory_space<vmem>>
    %dma_wait3A_137 = arith.constant 40 : i32
    %dma_wait3A_138 = tpu.memref_slice %arg8[%dma_wait3A_137] : memref<64xi32, #tpu.memory_space<vmem>> -> memref<8xi32, #tpu.memory_space<vmem>>
    %dma_wait3A_139 = arith.constant 0 : i32
    %dma_wait3A_140 = arith.constant 0 : i32
    %dma_wait3A_141 = tpu.memref_slice %arg4[%dma_wait3A_139, %dma_wait3A_140] : memref<32320x1024xf32, #tpu.memory_space<hbm>> -> memref<32320x1024xf32, #tpu.memory_space<hbm>>
    tpu.wait_indirect_dma semaphore(%arg12 : memref<!tpu.dma_semaphore, #tpu.memory_space<semaphore_mem>>) src(%dma_wait3A_141 : memref<32320x1024xf32, #tpu.memory_space<hbm>>) dst(%dma_wait3A_136 : memref<8x1024xf32, #tpu.memory_space<vmem>>)
    "tpu.region"() ({
      %run_scoped3A = tpu.sem_alloc : memref<!tpu.dma_semaphore, #tpu.memory_space<semaphore_mem>>
      %dma_start3A_166 = arith.constant 0 : i32
      %dma_start3A_167 = arith.constant 0 : i32
      %dma_start3A_168 = tpu.memref_slice %arg10[%dma_start3A_166, %dma_start3A_167] : memref<50x1024xf32, #tpu.memory_space<vmem>> -> memref<8x1024xf32, #tpu.memory_space<vmem>>
      %dma_start3A_169 = arith.constant 40 : i32
      %dma_start3A_170 = arith.constant 0 : i32
      %dma_start3A_171 = tpu.memref_slice %arg6[%add3A, %dma_start3A_169, %dma_start3A_170] : memref<32x64x1024xf32, #tpu.memory_space<hbm>> -> memref<1x8x1024xf32, #tpu.memory_space<hbm>>
      %dma_start3A_172 = tpu.memref_squeeze %dma_start3A_171 : memref<1x8x1024xf32, #tpu.memory_space<hbm>> -> memref<8x1024xf32, #tpu.memory_space<hbm>>
      %dma_start3A_173 = arith.constant 40 : i32
      %dma_start3A_174 = arith.constant 0 : i32
      %dma_start3A_175 = tpu.memref_slice %arg6[%add3A, %dma_start3A_173, %dma_start3A_174] : memref<32x64x1024xf32, #tpu.memory_space<hbm>> -> memref<1x8x1024xf32, #tpu.memory_space<hbm>>
      %dma_start3A_176 = tpu.memref_squeeze %dma_start3A_175 : memref<1x8x1024xf32, #tpu.memory_space<hbm>> -> memref<8x1024xf32, #tpu.memory_space<hbm>>
      %dma_start3A_177 = arith.constant 0 : i32
      %dma_start3A_178 = arith.constant 0 : i32
      %dma_start3A_179 = tpu.memref_slice %arg10[%dma_start3A_177, %dma_start3A_178] : memref<50x1024xf32, #tpu.memory_space<vmem>> -> memref<8x1024xf32, #tpu.memory_space<vmem>>
      tpu.enqueue_dma source(%dma_start3A_179 : memref<8x1024xf32, #tpu.memory_space<vmem>>) target(%dma_start3A_176 : memref<8x1024xf32, #tpu.memory_space<hbm>>) target_semaphore(%run_scoped3A : memref<!tpu.dma_semaphore, #tpu.memory_space<semaphore_mem>>)
      %dma_wait3A_180 = arith.constant 0 : i32
      %dma_wait3A_181 = arith.constant 0 : i32
      %dma_wait3A_182 = tpu.memref_slice %arg10[%dma_wait3A_180, %dma_wait3A_181] : memref<50x1024xf32, #tpu.memory_space<vmem>> -> memref<8x1024xf32, #tpu.memory_space<vmem>>
      %dma_wait3A_183 = arith.constant 40 : i32
      %dma_wait3A_184 = arith.constant 0 : i32
      %dma_wait3A_185 = tpu.memref_slice %arg6[%add3A, %dma_wait3A_183, %dma_wait3A_184] : memref<32x64x1024xf32, #tpu.memory_space<hbm>> -> memref<1x8x1024xf32, #tpu.memory_space<hbm>>
      %dma_wait3A_186 = tpu.memref_squeeze %dma_wait3A_185 : memref<1x8x1024xf32, #tpu.memory_space<hbm>> -> memref<8x1024xf32, #tpu.memory_space<hbm>>
      %dma_wait3A_187 = arith.constant 40 : i32
      %dma_wait3A_188 = arith.constant 0 : i32
      %dma_wait3A_189 = tpu.memref_slice %arg6[%add3A, %dma_wait3A_187, %dma_wait3A_188] : memref<32x64x1024xf32, #tpu.memory_space<hbm>> -> memref<1x8x1024xf32, #tpu.memory_space<hbm>>
      %dma_wait3A_190 = tpu.memref_squeeze %dma_wait3A_189 : memref<1x8x1024xf32, #tpu.memory_space<hbm>> -> memref<8x1024xf32, #tpu.memory_space<hbm>>
      %dma_wait3A_191 = arith.constant 0 : i32
      %dma_wait3A_192 = arith.constant 0 : i32
      %dma_wait3A_193 = tpu.memref_slice %arg10[%dma_wait3A_191, %dma_wait3A_192] : memref<50x1024xf32, #tpu.memory_space<vmem>> -> memref<8x1024xf32, #tpu.memory_space<vmem>>
      tpu.wait_dma2 semaphore(%run_scoped3A : memref<!tpu.dma_semaphore, #tpu.memory_space<semaphore_mem>>) src(%dma_wait3A_193 : memref<8x1024xf32, #tpu.memory_space<vmem>>) dst(%dma_wait3A_190 : memref<8x1024xf32, #tpu.memory_space<hbm>>)
      tpu.yield
    }) : () -> ()
    %dma_start3A_142 = arith.constant 0 : i32
    %dma_start3A_143 = arith.constant 0 : i32
    %dma_start3A_144 = tpu.memref_slice %arg10[%dma_start3A_142, %dma_start3A_143] : memref<50x1024xf32, #tpu.memory_space<vmem>> -> memref<8x1024xf32, #tpu.memory_space<vmem>>
    %dma_start3A_145 = arith.constant 56 : i32
    %dma_start3A_146 = tpu.memref_slice %arg8[%dma_start3A_145] : memref<64xi32, #tpu.memory_space<vmem>> -> memref<8xi32, #tpu.memory_space<vmem>>
    %dma_start3A_147 = arith.constant 0 : i32
    %dma_start3A_148 = arith.constant 0 : i32
    %dma_start3A_149 = tpu.memref_slice %arg4[%dma_start3A_147, %dma_start3A_148] : memref<32320x1024xf32, #tpu.memory_space<hbm>> -> memref<32320x1024xf32, #tpu.memory_space<hbm>>
    tpu.enqueue_indirect_dma source(%dma_start3A_149 : memref<32320x1024xf32, #tpu.memory_space<hbm>>) target(%dma_start3A_144 : memref<8x1024xf32, #tpu.memory_space<vmem>>) offsets(%dma_start3A_146 : memref<8xi32, #tpu.memory_space<vmem>>) semaphore(%arg12 : memref<!tpu.dma_semaphore, #tpu.memory_space<semaphore_mem>>)
    %dma_wait3A_150 = arith.constant 0 : i32
    %dma_wait3A_151 = arith.constant 0 : i32
    %dma_wait3A_152 = tpu.memref_slice %arg9[%dma_wait3A_150, %dma_wait3A_151] : memref<50x1024xf32, #tpu.memory_space<vmem>> -> memref<8x1024xf32, #tpu.memory_space<vmem>>
    %dma_wait3A_153 = arith.constant 48 : i32
    %dma_wait3A_154 = tpu.memref_slice %arg8[%dma_wait3A_153] : memref<64xi32, #tpu.memory_space<vmem>> -> memref<8xi32, #tpu.memory_space<vmem>>
    %dma_wait3A_155 = arith.constant 0 : i32
    %dma_wait3A_156 = arith.constant 0 : i32
    %dma_wait3A_157 = tpu.memref_slice %arg4[%dma_wait3A_155, %dma_wait3A_156] : memref<32320x1024xf32, #tpu.memory_space<hbm>> -> memref<32320x1024xf32, #tpu.memory_space<hbm>>
    tpu.wait_indirect_dma semaphore(%arg11 : memref<!tpu.dma_semaphore, #tpu.memory_space<semaphore_mem>>) src(%dma_wait3A_157 : memref<32320x1024xf32, #tpu.memory_space<hbm>>) dst(%dma_wait3A_152 : memref<8x1024xf32, #tpu.memory_space<vmem>>)
    "tpu.region"() ({
      %run_scoped3A = tpu.sem_alloc : memref<!tpu.dma_semaphore, #tpu.memory_space<semaphore_mem>>
      %dma_start3A_166 = arith.constant 0 : i32
      %dma_start3A_167 = arith.constant 0 : i32
      %dma_start3A_168 = tpu.memref_slice %arg9[%dma_start3A_166, %dma_start3A_167] : memref<50x1024xf32, #tpu.memory_space<vmem>> -> memref<8x1024xf32, #tpu.memory_space<vmem>>
      %dma_start3A_169 = arith.constant 48 : i32
      %dma_start3A_170 = arith.constant 0 : i32
      %dma_start3A_171 = tpu.memref_slice %arg6[%add3A, %dma_start3A_169, %dma_start3A_170] : memref<32x64x1024xf32, #tpu.memory_space<hbm>> -> memref<1x8x1024xf32, #tpu.memory_space<hbm>>
      %dma_start3A_172 = tpu.memref_squeeze %dma_start3A_171 : memref<1x8x1024xf32, #tpu.memory_space<hbm>> -> memref<8x1024xf32, #tpu.memory_space<hbm>>
      %dma_start3A_173 = arith.constant 48 : i32
      %dma_start3A_174 = arith.constant 0 : i32
      %dma_start3A_175 = tpu.memref_slice %arg6[%add3A, %dma_start3A_173, %dma_start3A_174] : memref<32x64x1024xf32, #tpu.memory_space<hbm>> -> memref<1x8x1024xf32, #tpu.memory_space<hbm>>
      %dma_start3A_176 = tpu.memref_squeeze %dma_start3A_175 : memref<1x8x1024xf32, #tpu.memory_space<hbm>> -> memref<8x1024xf32, #tpu.memory_space<hbm>>
      %dma_start3A_177 = arith.constant 0 : i32
      %dma_start3A_178 = arith.constant 0 : i32
      %dma_start3A_179 = tpu.memref_slice %arg9[%dma_start3A_177, %dma_start3A_178] : memref<50x1024xf32, #tpu.memory_space<vmem>> -> memref<8x1024xf32, #tpu.memory_space<vmem>>
      tpu.enqueue_dma source(%dma_start3A_179 : memref<8x1024xf32, #tpu.memory_space<vmem>>) target(%dma_start3A_176 : memref<8x1024xf32, #tpu.memory_space<hbm>>) target_semaphore(%run_scoped3A : memref<!tpu.dma_semaphore, #tpu.memory_space<semaphore_mem>>)
      %dma_wait3A_180 = arith.constant 0 : i32
      %dma_wait3A_181 = arith.constant 0 : i32
      %dma_wait3A_182 = tpu.memref_slice %arg9[%dma_wait3A_180, %dma_wait3A_181] : memref<50x1024xf32, #tpu.memory_space<vmem>> -> memref<8x1024xf32, #tpu.memory_space<vmem>>
      %dma_wait3A_183 = arith.constant 48 : i32
      %dma_wait3A_184 = arith.constant 0 : i32
      %dma_wait3A_185 = tpu.memref_slice %arg6[%add3A, %dma_wait3A_183, %dma_wait3A_184] : memref<32x64x1024xf32, #tpu.memory_space<hbm>> -> memref<1x8x1024xf32, #tpu.memory_space<hbm>>
      %dma_wait3A_186 = tpu.memref_squeeze %dma_wait3A_185 : memref<1x8x1024xf32, #tpu.memory_space<hbm>> -> memref<8x1024xf32, #tpu.memory_space<hbm>>
      %dma_wait3A_187 = arith.constant 48 : i32
      %dma_wait3A_188 = arith.constant 0 : i32
      %dma_wait3A_189 = tpu.memref_slice %arg6[%add3A, %dma_wait3A_187, %dma_wait3A_188] : memref<32x64x1024xf32, #tpu.memory_space<hbm>> -> memref<1x8x1024xf32, #tpu.memory_space<hbm>>
      %dma_wait3A_190 = tpu.memref_squeeze %dma_wait3A_189 : memref<1x8x1024xf32, #tpu.memory_space<hbm>> -> memref<8x1024xf32, #tpu.memory_space<hbm>>
      %dma_wait3A_191 = arith.constant 0 : i32
      %dma_wait3A_192 = arith.constant 0 : i32
      %dma_wait3A_193 = tpu.memref_slice %arg9[%dma_wait3A_191, %dma_wait3A_192] : memref<50x1024xf32, #tpu.memory_space<vmem>> -> memref<8x1024xf32, #tpu.memory_space<vmem>>
      tpu.wait_dma2 semaphore(%run_scoped3A : memref<!tpu.dma_semaphore, #tpu.memory_space<semaphore_mem>>) src(%dma_wait3A_193 : memref<8x1024xf32, #tpu.memory_space<vmem>>) dst(%dma_wait3A_190 : memref<8x1024xf32, #tpu.memory_space<hbm>>)
      tpu.yield
    }) : () -> ()
    %dma_wait3A_158 = arith.constant 0 : i32
    %dma_wait3A_159 = arith.constant 0 : i32
    %dma_wait3A_160 = tpu.memref_slice %arg10[%dma_wait3A_158, %dma_wait3A_159] : memref<50x1024xf32, #tpu.memory_space<vmem>> -> memref<8x1024xf32, #tpu.memory_space<vmem>>
    %dma_wait3A_161 = arith.constant 56 : i32
    %dma_wait3A_162 = tpu.memref_slice %arg8[%dma_wait3A_161] : memref<64xi32, #tpu.memory_space<vmem>> -> memref<8xi32, #tpu.memory_space<vmem>>
    %dma_wait3A_163 = arith.constant 0 : i32
    %dma_wait3A_164 = arith.constant 0 : i32
    %dma_wait3A_165 = tpu.memref_slice %arg4[%dma_wait3A_163, %dma_wait3A_164] : memref<32320x1024xf32, #tpu.memory_space<hbm>> -> memref<32320x1024xf32, #tpu.memory_space<hbm>>
    tpu.wait_indirect_dma semaphore(%arg12 : memref<!tpu.dma_semaphore, #tpu.memory_space<semaphore_mem>>) src(%dma_wait3A_165 : memref<32320x1024xf32, #tpu.memory_space<hbm>>) dst(%dma_wait3A_160 : memref<8x1024xf32, #tpu.memory_space<vmem>>)
    "tpu.region"() ({
      %run_scoped3A = tpu.sem_alloc : memref<!tpu.dma_semaphore, #tpu.memory_space<semaphore_mem>>
      %dma_start3A_166 = arith.constant 0 : i32
      %dma_start3A_167 = arith.constant 0 : i32
      %dma_start3A_168 = tpu.memref_slice %arg10[%dma_start3A_166, %dma_start3A_167] : memref<50x1024xf32, #tpu.memory_space<vmem>> -> memref<8x1024xf32, #tpu.memory_space<vmem>>
      %dma_start3A_169 = arith.constant 56 : i32
      %dma_start3A_170 = arith.constant 0 : i32
      %dma_start3A_171 = tpu.memref_slice %arg6[%add3A, %dma_start3A_169, %dma_start3A_170] : memref<32x64x1024xf32, #tpu.memory_space<hbm>> -> memref<1x8x1024xf32, #tpu.memory_space<hbm>>
      %dma_start3A_172 = tpu.memref_squeeze %dma_start3A_171 : memref<1x8x1024xf32, #tpu.memory_space<hbm>> -> memref<8x1024xf32, #tpu.memory_space<hbm>>
      %dma_start3A_173 = arith.constant 56 : i32
      %dma_start3A_174 = arith.constant 0 : i32
      %dma_start3A_175 = tpu.memref_slice %arg6[%add3A, %dma_start3A_173, %dma_start3A_174] : memref<32x64x1024xf32, #tpu.memory_space<hbm>> -> memref<1x8x1024xf32, #tpu.memory_space<hbm>>
      %dma_start3A_176 = tpu.memref_squeeze %dma_start3A_175 : memref<1x8x1024xf32, #tpu.memory_space<hbm>> -> memref<8x1024xf32, #tpu.memory_space<hbm>>
      %dma_start3A_177 = arith.constant 0 : i32
      %dma_start3A_178 = arith.constant 0 : i32
      %dma_start3A_179 = tpu.memref_slice %arg10[%dma_start3A_177, %dma_start3A_178] : memref<50x1024xf32, #tpu.memory_space<vmem>> -> memref<8x1024xf32, #tpu.memory_space<vmem>>
      tpu.enqueue_dma source(%dma_start3A_179 : memref<8x1024xf32, #tpu.memory_space<vmem>>) target(%dma_start3A_176 : memref<8x1024xf32, #tpu.memory_space<hbm>>) target_semaphore(%run_scoped3A : memref<!tpu.dma_semaphore, #tpu.memory_space<semaphore_mem>>)
      %dma_wait3A_180 = arith.constant 0 : i32
      %dma_wait3A_181 = arith.constant 0 : i32
      %dma_wait3A_182 = tpu.memref_slice %arg10[%dma_wait3A_180, %dma_wait3A_181] : memref<50x1024xf32, #tpu.memory_space<vmem>> -> memref<8x1024xf32, #tpu.memory_space<vmem>>
      %dma_wait3A_183 = arith.constant 56 : i32
      %dma_wait3A_184 = arith.constant 0 : i32
      %dma_wait3A_185 = tpu.memref_slice %arg6[%add3A, %dma_wait3A_183, %dma_wait3A_184] : memref<32x64x1024xf32, #tpu.memory_space<hbm>> -> memref<1x8x1024xf32, #tpu.memory_space<hbm>>
      %dma_wait3A_186 = tpu.memref_squeeze %dma_wait3A_185 : memref<1x8x1024xf32, #tpu.memory_space<hbm>> -> memref<8x1024xf32, #tpu.memory_space<hbm>>
      %dma_wait3A_187 = arith.constant 56 : i32
      %dma_wait3A_188 = arith.constant 0 : i32
      %dma_wait3A_189 = tpu.memref_slice %arg6[%add3A, %dma_wait3A_187, %dma_wait3A_188] : memref<32x64x1024xf32, #tpu.memory_space<hbm>> -> memref<1x8x1024xf32, #tpu.memory_space<hbm>>
      %dma_wait3A_190 = tpu.memref_squeeze %dma_wait3A_189 : memref<1x8x1024xf32, #tpu.memory_space<hbm>> -> memref<8x1024xf32, #tpu.memory_space<hbm>>
      %dma_wait3A_191 = arith.constant 0 : i32
      %dma_wait3A_192 = arith.constant 0 : i32
      %dma_wait3A_193 = tpu.memref_slice %arg10[%dma_wait3A_191, %dma_wait3A_192] : memref<50x1024xf32, #tpu.memory_space<vmem>> -> memref<8x1024xf32, #tpu.memory_space<vmem>>
      tpu.wait_dma2 semaphore(%run_scoped3A : memref<!tpu.dma_semaphore, #tpu.memory_space<semaphore_mem>>) src(%dma_wait3A_193 : memref<8x1024xf32, #tpu.memory_space<vmem>>) dst(%dma_wait3A_190 : memref<8x1024xf32, #tpu.memory_space<hbm>>)
      tpu.yield
    }) : () -> ()
    return
  }
}

module attributes {stable_mosaic.version = 14 : i64} {
  func.func @_fixup_body(%arg0: i32, %arg1: memref<1024x50x1024xf32, #tpu.memory_space<any>>, %arg2: memref<1x64x1024xf32, #tpu.memory_space<vmem>>, %arg3: memref<32x8x1024xf32, #tpu.memory_space<vmem>>) attributes {dimension_semantics = [#tpu.dimension_semantics<arbitrary>], iteration_bounds = array<i64: 32>, scalar_prefetch = 0 : i64, scratch_operands = 0 : i64, tpu.core_type = #tpu.core_type<tc>, window_params = [{}, {transform_indices = @transform_1, window_bounds = array<i64: 1, 64, 1024>}, {transform_indices = @transform_2, window_bounds = array<i64: 32, 8, 1024>}]} {
    %get3A = arith.constant 0 : index
    %get3A_0 = arith.constant 0 : index
    %get3A_1 = arith.constant 0 : index
    %get3A_2 = vector.load %arg2[%get3A, %get3A_0, %get3A_1] : memref<1x64x1024xf32, #tpu.memory_space<vmem>>, vector<1x64x1024xf32>
    %get3A_3 = vector.shape_cast %get3A_2 : vector<1x64x1024xf32> to vector<64x1024xf32>
    %reshape3A = vector.shape_cast %get3A_3 : vector<64x1024xf32> to vector<32x2x1024xf32>
    %swap3A = arith.constant 0 : index
    %swap3A_4 = arith.constant 0 : index
    %swap3A_5 = arith.constant 0 : index
    %swap3A_6 = vector.load %arg3[%swap3A, %swap3A_4, %swap3A_5] : memref<32x8x1024xf32, #tpu.memory_space<vmem>>, vector<32x2x1024xf32>
    tpu.vector_store %arg3[%swap3A, %swap3A_4, %swap3A_5], %reshape3A {strides = array<i32>} : memref<32x8x1024xf32, #tpu.memory_space<vmem>>, vector<32x2x1024xf32>,
    return
  }
  func.func @transform_1(%arg0: i32) -> (i32, i32, i32) {
    %c0_i32 = arith.constant 0 : i32
    %c0_i32_0 = arith.constant 0 : i32
    %c0_i32_1 = arith.constant 0 : i32
    return %arg0, %c0_i32, %c0_i32_0 : i32, i32, i32
  }
  func.func @transform_2(%arg0: i32) -> (i32, i32, i32) {
    %c6_i32 = arith.constant 6 : i32
    %c0_i32 = arith.constant 0 : i32
    %c0_i32_0 = arith.constant 0 : i32
    return %arg0, %c6_i32, %c0_i32 : i32, i32, i32
  }
}

</mosaic_0001>

<sc_bundles>
// kernel: kernel.4.cloned.1.call-start
scs
__scs_entry_jumppad:
0x0: {  	(pc) =	sbr.rel $0x88, $3  }
0x1: {  	(tag) =	ssettag $0x0;
	lr =	simm.s32 $0x1  }
0x2: {  	[smem:$0x3F9D] =	sst lr;
	_ =	strace $0xD0000000  }
0x3: {  	_ = 	snop  }
0x4: {  	_ = 	snop  }
0x5: {  	_ = 	snop  }
0x6: {  	_ = 	snop  }
0x7: {  	_ = 	snop  }
__scs_overlays_trampoline_lowered:
0x8: {  	[smem:$0x3FAC] =	sst s0  }
0x9: {  	[smem:$0x3FAD] =	sst s1  }
0xa: {  	[smem:$0x3FAE] =	sst s2  }
0xb: {  	[smem:$0x3FAF] =	sst s3  }
0xc: {  	[smem:$0x3FB0] =	sst s4  }
0xd: {  	[smem:$0x3FB1] =	sst s5  }
0xe: {  	[smem:$0x3FB2] =	sst s6  }
0xf: {  	[smem:$0x3FB3] =	sst s7  }
0x10: {  	[smem:$0x3FB4] =	sst s8  }
0x11: {  	[smem:$0x3FB5] =	sst s9;
	s0 =	simm.s32 @!p0 $0x0  }
0x12: {  	s1 =	sld [smem:$0x3F9B];
	s0 =	simm.s32 @p0 $0x1  }
0x13: {  	[smem:$0x3FB6] =	sst s0;
	s0 =	simm.s32 @!p1 $0x0  }
0x14: {  	s2 =	sld [smem:$0x3F9A];
	s0 =	simm.s32 @p1 $0x1  }
0x15: {  	[smem:$0x3FB7] =	sst s0;
	s0 =	simm.s32 @!p2 $0x0  }
0x16: {  	s3 =	sld [smem:$0x3FDB];
	s0 =	simm.s32 @p2 $0x1  }
0x17: {  	s4 =	simm.s32 $0x1BF5;
	[smem:$0x3FB9] =	sst s0  }
0x18: {  	s0 =	sld [smem:$0x3F9C];
	_ =	swait.ge [sflag:s4], $0x0  }
0x19: {  	s7 =	sld [smem:$0x3F9D]  }
0x1a: {  	s8 =	sadd.s32 $0xFFFFE003, lr  }
0x1b: {  	s9 =	sadd.s32 $0xFFFFFEF7, lr;
	s5 =	simm.s32 $0xFFFFFFFF;
	p2 =	slt.u32 s8, $0xFFFFF086  }
0x1c: {  	p1 =	slt.u32 s9, $0xF7A;
	s5 =	simm.s32 @!p2 $0x0  }
0x1d: {  	s5 =	simm.s32 @p1 $0x1;
	p0 =	seq.s32 s7, s2  }
0x1e: {  	s7 =	smul.u32 @!p0 $0xF7A, s2;
	p2 =	seq.s32 @!p0 s5, $0x0  }
0x1f: {  	s9 =	smul.u32 $0xF7A, s1;
	s8 =	simm.s32 @!p0 $0x1BF5;
	p2 =	por !p2, p0  }
0x20: {  	[sflag:s8] =	ssyncset.s32 @!p0 $0xFFFFF086;
	s6 =	sadd.s32 @!p0 s3, s7;
	s7 =	simm.s32 @!p0 $0x108  }
0x21: {  	s3 =	sadd.s32 s3, s9;
	s6 =	sadd.s32 @!p0 $0x88, s6;
	s7 =	simm.s32 @p2 $0x1082  }
0x22: {  	[simem:s7], [sflag:s8] =	dma.local @!p0 [hbm:s6], $0xF7A  }
0x23: {  	s9 =	sor.u32 $0xD0000000, s2;
	s6 =	simm.s32 $0x108;
	_ =	swait.ge @!p0 [sflag:s8], $0x0  }
0x24: {  	s3 =	sadd.s32 $0x88, s3;
	s6 =	simm.s32 @!p1 $0x1082;
	[sflag:s4] =	ssyncset.s32 $0xFFFFF086  }
0x25: {  	[simem:s6], [sflag:s4] =	dma.local [hbm:s3], $0xF7A  }
0x26: {  	[smem:$0x3F9D] =	sst s1;
	(tag) =	ssettag s2;
	_ =	strace s9  }
0x27: {  	s1 =	sld [smem:$0x3FAD]  }
0x28: {  	s2 =	sld [smem:$0x3FAE]  }
0x29: {  	s4 =	sld [smem:$0x3FB0]  }
0x2a: {  	p0 =	seq.s32 s5, $0x0;
	s5 =	sld [smem:$0x3FB1]  }
0x2b: {  	s6 =	sld [smem:$0x3FB2]  }
0x2c: {  	s7 =	sld [smem:$0x3FB3]  }
0x2d: {  	s3 =	simm.s32 $0x108;
	s8 =	sld [smem:$0x3FB4]  }
0x2e: {  	s3 =	simm.s32 @!p0 $0x1082;
	s9 =	sld [smem:$0x3FB5]  }
0x2f: {  	lr =	sadd.s32 s0, s3;
	s0 =	sld [smem:$0x3FAC]  }
0x30: {  	s3 =	sld [smem:$0x3FAF]  }
0x31: {  	[smem:$0x3FB8] =	sst s10  }
0x32: {  	s10 =	sld [smem:$0x3FB6];
	_ =	sdelay $0x3  }
0x33: {  	p0 =	seq.s32 s10, $0x1;
	s10 =	sld [smem:$0x3FB8];
	_ =	sdelay $0x3  }
0x34: {  	[smem:$0x3FB8] =	sst s10  }
0x35: {  	s10 =	sld [smem:$0x3FB7];
	_ =	sdelay $0x3  }
0x36: {  	p1 =	seq.s32 s10, $0x1;
	s10 =	sld [smem:$0x3FB8];
	_ =	sdelay $0x3  }
0x37: {  	[smem:$0x3FB8] =	sst s10  }
0x38: {  	s10 =	sld [smem:$0x3FB9]  }
0x39: {  	_ = 	snop;
	(pc) =	sbr.ind lr, $3  }
0x3a: {  	_ = 	snop  }
0x3b: {  	_ = 	snop  }
0x3c: {  	p2 =	seq.s32 s10, $0x1;
	s10 =	sld [smem:$0x3FB8]  }
0x3d: {  	_ =	shalt  }
0x3e: {  	_ =	shalt  }
0x3f: {  	_ =	shalt  }
0x40: {  	_ =	shalt  }
0x41: {  	_ =	shalt  }
0x42: {  	_ =	shalt  }
0x43: {  	_ =	shalt  }
0x44: {  	_ =	shalt  }
0x45: {  	_ =	shalt  }
0x46: {  	_ =	shalt  }
0x47: {  	_ =	shalt  }
0x48: {  	_ =	shalt  }
0x49: {  	_ =	shalt  }
0x4a: {  	_ =	shalt  }
0x4b: {  	_ =	shalt  }
0x4c: {  	_ =	shalt  }
0x4d: {  	_ =	shalt  }
0x4e: {  	_ =	shalt  }
0x4f: {  	_ =	shalt  }
0x50: {  	_ =	shalt  }
0x51: {  	_ =	shalt  }
0x52: {  	_ =	shalt  }
0x53: {  	_ =	shalt  }
0x54: {  	_ =	shalt  }
0x55: {  	_ =	shalt  }
0x56: {  	_ =	shalt  }
0x57: {  	_ =	shalt  }
0x58: {  	_ =	shalt  }
0x59: {  	_ =	shalt  }
0x5a: {  	_ =	shalt  }
0x5b: {  	_ =	shalt  }
0x5c: {  	_ =	shalt  }
0x5d: {  	_ =	shalt  }
0x5e: {  	_ =	shalt  }
0x5f: {  	_ =	shalt  }
0x60: {  	_ =	shalt  }
0x61: {  	_ =	shalt  }
0x62: {  	_ =	shalt  }
0x63: {  	_ =	shalt  }
0x64: {  	_ =	shalt  }
0x65: {  	_ =	shalt  }
0x66: {  	_ =	shalt  }
0x67: {  	_ =	shalt  }
0x68: {  	_ =	shalt  }
0x69: {  	_ =	shalt  }
0x6a: {  	_ =	shalt  }
0x6b: {  	_ =	shalt  }
0x6c: {  	_ =	shalt  }
0x6d: {  	_ =	shalt  }
0x6e: {  	_ =	shalt  }
0x6f: {  	_ =	shalt  }
0x70: {  	_ =	shalt  }
0x71: {  	_ =	shalt  }
0x72: {  	_ =	shalt  }
0x73: {  	_ =	shalt  }
0x74: {  	_ =	shalt  }
0x75: {  	_ =	shalt  }
0x76: {  	_ =	shalt  }
0x77: {  	_ =	shalt  }
0x78: {  	_ =	shalt  }
0x79: {  	_ =	shalt  }
0x7a: {  	_ =	shalt  }
0x7b: {  	_ =	shalt  }
0x7c: {  	_ =	shalt  }
0x7d: {  	_ =	shalt  }
0x7e: {  	_ =	shalt  }
0x7f: {  	_ =	shalt  }
0x80: {  	_ =	shalt  }
0x81: {  	_ =	shalt  }
0x82: {  	_ =	shalt  }
0x83: {  	_ =	shalt  }
0x84: {  	_ =	shalt  }
0x85: {  	_ =	shalt  }
0x86: {  	_ =	shalt  }
0x87: {  	_ =	shalt  }
.Lfunc_end0:
.L_simem_size_0:
called_computation_lowered:
.L_overlay_start_0:
0x88: {  	s2 =	sld [smem:$0x3FD9]  }
0x89: {  	s3 =	sld [smem:$0x3FFE];
	_ =	sdelay $0x1  }
0x8a: {  	s1 =	srdreg.scid  }
0x8b: {  	s0 =	sand.u32 $0x1, s1  }
0x8c: {  	s14 =	sshll.u32 s0, $0xA;
	s2 =	sadd.s32 s3, s2  }
0x8d: {  	s2 =	sadd.s32 s2, s14  }
0x8e: {  	[smem:$0x3FC4] =	sst s2  }
0x8f: {  	_ = 	snop  }
0x90: {  	s2 =	sld [smem:$0x3FD0];
	_ =	sdelay $0x2  }
0x91: {  	s4 =	simm.s32 $0xA;
	s5 =	simm.s32 $0x10;
	s15 =	sld [smem:$0x3FC6]  }
0x92: {  	[smem:s5], [sflag:s4] =	dma.local [hbm:s2], $0x1  }
0x93: {  	_ =	swait.eq [sflag:s4], $0x1  }
0x94: {  	[sflag:s4] =	ssyncset.done $0x0  }
0x95: {  	s16 =	sld [smem:$0x10];
	[sflag:s4] =	ssyncadd.s32 $0xFFFFFFFF  }
0x96: {  	s17 =	sld [smem:$0x12];
	(tm) =	ssettm $0x1  }
0x97: {  	s18 =	sld [smem:$0x3FFB];
	_ =	sdelay $0x3  }
0x98: {  	_ =	strace s18  }
0x99: {  	s5 =	sld [smem:$0x3FFC];
	_ =	sdelay $0x3  }
0x9a: {  	_ =	strace s5  }
0x9b: {  	s5 =	sld [smem:$0x3FFD];
	_ =	sdelay $0x3  }
0x9c: {  	_ =	strace s5  }
0x9d: {  	_ =	strace $0x8FFFFFFF  }
0x9e: {  	s19 =	sld [smem:$0x3FDB];
	_ =	sdelay $0x1  }
0x9f: {  	s6 =	simm.s32 $_scs_section_size  }
0xa0: {  	s7 =	simm.s32 $_size__tile_overlayer_lowered;
	s8 =	simm.s32 $_tile_overlayer_lowered  }
0xa1: {  	s22 =	simm.s32 $0x1BFF;
	s21 =	sshll.u32 s8, $0x1;
	s5 =	sadd.s32 s6, s19  }
0xa2: {  	s9 =	simm.s32 $0x0;
	s20 =	sshll.u32 s7, $0x1;
	s7 =	sadd.s32 s21, s5  }
0xa3: {  	[timem:s9], [sflag:s22] =	dma.local [hbm:s7], s20  }
0xa4: {  	_ =	swait.ge [sflag:s22], s20  }
0xa5: {  	s6 =	ssub.s32 $0x0, s20;
	[sflag:s22] =	ssyncset.done $0x0  }
0xa6: {  	[sflag:s22] =	ssyncadd.s32 s6;
	_ =	sdelay $0x1  }
0xa7: {  	s23 =	simm.s32 $0x1B8B  }
0xa8: {  	_ =	swait.ge [sflag:s23], $0x1  }
0xa9: {  	[sflag:s23] =	ssyncset.done $0x0  }
0xaa: {  	s25 =	simm.s32 $0x1B8E;
	s24 =	sld [smem:$0x3FFE];
	[sflag:s23] =	ssyncadd.s32 $0xFFFFFFFF  }
0xab: {  	s26 =	simm.s32 $execute0_lowered;
	[smem:$0x3FD2] =	sst s25  }
0xac: {  	s7 =	sshll.u32 s26, $0x1;
	_ =	strace $0x80000046;
	[dreg:$0x1] =	wrdreg $0xFFFFFFFF  }
0xad: {  	s28 =	simm.s32 $_size_execute0_lowered;
	s5 =	sadd.s32 s5, s7;
	[dreg:$0x0] =	wrdreg $0x0  }
0xae: {  	s7 =	sshll.u32 s28, $0x1;
	[dreg:$0x2] =	wrdreg s5  }
0xaf: {  	[dreg:$0x3] =	wrdreg s7  }
0xb0: {  	[dreg:$0x4] =	wrdreg $0xC0  }
0xb1: {  	_ =	task [dreg:s9], $0x5FFFF  }
0xb2: {  	[dreg:$0x1] =	wrdreg $0xFFFFFFFF  }
0xb3: {  	[dreg:$0x0] =	wrdreg $0x60  }
0xb4: {  	[dreg:$0x2] =	wrdreg s24  }
0xb5: {  	[dreg:$0x3] =	wrdreg s17  }
0xb6: {  	[dreg:$0x4] =	wrdreg s15  }
0xb7: {  	[dreg:$0x5] =	wrdreg s16  }
0xb8: {  	[dreg:$0x6] =	wrdreg $0x9  }
0xb9: {  	_ =	task.clear_ibuf [dreg:s9], $0x7FFFF;
	_ =	strace $0x90000046  }
0xba: {  	s29 =	simm.s32 $0x9;
	_ =	strace $0x80000048  }
0xbb: {  	_ =	swait.ge [sflag:s29], $0x1  }
0xbc: {  	[sflag:s29] =	ssyncadd.s32 $0xFFFFFFFF  }
0xbd: {  	_ =	strace $0x90000048  }
0xbe: {  	_ =	sfence  }
0xbf: {  	s30 =	sld [smem:$0x0];
	_ =	sdelay $0x2  }
0xc0: {  	s31 =	sshll.u32 s1, $0xD;
	s1 =	sshrl.u32 s1, $0x2  }
0xc1: {  	s3 =	sand.u32 $0x4000, s31;
	s1 =	sadd.s32 s1, s30  }
0xc2: {  	s0 =	sor.u32 s3, s0;
	s1 =	sshll.u32 s1, $0x11  }
0xc3: {  	s0 =	sor.u32 s1, s0  }
0xc4: {  	s0 =	sadd.s32 $0x8F2B, s0  }
0xc5: {  	[sflag:s0] =	ssyncadd.remote.s32 $0x1  }
0xc6: {  	_ =	sfence.sel $0xFFFF  }
0xc7: {  	[dreg:$0x0] =	wrdreg $0xFFFFFFFF;
	(pc) =	sbr.abs _section_cstart, $3  }
0xc8: {  	[dreg:$0x1] =	wrdreg $0xFFFFFFFF  }
0xc9: {  	_ =	task.clear_ibuf [dreg:s9], $0x2FFFF;
	_ =	strace $0x9FFFFFFF  }
0xca: {  	(tm) =	ssettm $0x7FFFFFFF  }
0xcb: {  	_ =	shalt  }
tec
execute0_lowered:
.L_overlay_start_1:
0x0: {  	(tag) =	ssettag $0x1  }
0x1: {  	s0 =	rddreg [dreg:$0x0]  }
0x2: {  	s1 =	rddreg [dreg:$0x1]  }
0x3: {  	s2 =	rddreg [dreg:$0x2];
	s3 =	srdreg.scid  }
0x4: {  	s11 =	stileid.u32;
	s4 =	rddreg [dreg:$0x3]  }
0x5: {  	s31 =	simm.s32 $0x1080;
	s28 =	simm.s32 $0x5080;
	s29 =	simm.s32 $0x9080  }
0x6: {  	s30 =	simm.s32 $0xB080;
	s13 =	simm.s32 $0x10080;
	s14 =	simm.s32 $0x1  }
0x7: {  	s5 =	sand.u32 $0x1, s3;
	s6 =	sshll.u32 s11, $0x1;
	s3 =	simm.s32 $0x0  }
0x8: {  	s19 =	smul.u32 $0x70000, s11;
	s11 =	simm.s32 $0x0;
	s8 =	sor.u32 s5, s6  }
0x9: {  	[smem:$0x7FF] =	sst s3;
	s7 =	ssub.s32 $0x2, s5;
	s21 =	smul.u32 $0x38000, s5  }
0xa: {  	s5 =	simm.s32 $0x6880;
	s6 =	sshll.u32 s8, $0x9;
	_ =	strace $0x80000047  }
0xb: {  	s9 =	sshrl.u32 s7, $0x1;
	s10 =	smul.u32 $0x1C0000, s8;
	s15 =	sshll.u32 s8, $0x4  }
0xc: {  	s17 =	sshll.u32 s8, $0xD;
	s8 =	sadd.s32 $0x300, s2;
	s6 =	sadd.s32 s6, s0  }
0xd: {  	s0 =	sadd.s32 $0x4E00, s0;
	s9 =	ssub.s32 s7, s9;
	s1 =	sadd.s32 s1, s15  }
0xe: {  	s7 =	sadd.s32 $0x200, s2;
	s6 =	sadd.s32 $0xE00, s6;
	[dreg:$0x7] =	wrdreg s1  }
0xf: {  	s16 =	sshrl.u32 s10, $0x3;
	s10 =	sadd.s32 s4, s17;
	[dreg:$0x6] =	wrdreg s6  }
0x10: {  	s15 =	simm.s32 $0x2;
	s26 =	smax.u32 s9, $0x1;
	[dreg:$0x9] =	wrdreg s10  }
0x11: {  	s9 =	simm.s32 $0x7080;
	s18 =	sadd.s32 $0x400, s10;
	[dreg:$0x12] =	wrdreg s26  }
0x12: {  	s6 =	sadd.s32 $0x100, s2;
	s4 =	sadd.s32 $0x800, s10;
	[dreg:$0xb] =	wrdreg s18  }
0x13: {  	s1 =	sadd.s32 s0, s16;
	s20 =	sadd.s32 $0xC00, s10;
	[dreg:$0xc] =	wrdreg s4  }
0x14: {  	s22 =	sadd.s32 $0x1000, s10;
	s23 =	sadd.s32 $0x1400, s10;
	[dreg:$0xd] =	wrdreg s20  }
0x15: {  	s0 =	sadd.s32 s19, s0;
	s24 =	sadd.s32 $0x1800, s10;
	[dreg:$0xe] =	wrdreg s22  }
0x16: {  	s25 =	sadd.s32 $0x1C00, s10;
	s19 =	simm.s32 $0x4080;
	[dreg:$0xf] =	wrdreg s23  }
0x17: {  	s26 =	simm.s32 $0x4880;
	s10 =	simm.s32 $0x10880;
	[dreg:$0x10] =	wrdreg s24  }
0x18: {  	s12 =	sadd.s32 $0x34800, s1;
	s1 =	sadd.s32 $0x36400, s1;
	[dreg:$0x11] =	wrdreg s25  }
0x19: {  	s0 =	sadd.s32 s21, s0;
	s20 =	simm.s32 $0x3;
	s18 =	simm.s32 $0x3080  }
0x1a: {  	s21 =	simm.s32 $0x5880;
	s4 =	simm.s32 $0x6080;
	[dreg:$0x8] =	wrdreg s12  }
0x1b: {  	v2 =	vlaneseq.u32;
	vm1 =	vcmask $0x2720;
	vm2 =	vcmask $0x700;
	s23 =	simm.s32 $0x7880;
	s24 =	simm.s32 $0x8080;
	[dreg:$0xa] =	wrdreg s1  }
0x1c: {  	vm0 =	vmmov $0xffff;
	v0 =	vand.u32 $0x7, v2;
	v1 =	vshrl.u32 v2, $0x3;
	s25 =	simm.s32 $0x8880;
	s22 =	simm.s32 $0xA880;
	[dreg:$0x5] =	wrdreg s0  }
0x1d: {  	v2 =	vor.u32 $0x8, v2;
	vm1 =	vmor vm2, vm1;
	v1 =	vmul.u32 $0x8, v1;
	s0 =	simm.s32 $0x3880;
	s1 =	simm.s32 $0x9880;
	s12 =	simm.s32 $0xF880  }
.LBB2_1:
0x1e: {  	[dreg:$0x13] =	wrdreg s11  }
0x1f: {  	s16 =	rddreg [dreg:$0x6]  }
0x20: {  	[tilespmem:s3], [sflag:$0x3] =	stream.linear.gather [hbm4b:s16+s3], $0x1000, $0x38;
	[tilespmem:$0x1D080] =	vst v63  }
0x21: {  	_ =	swait.ge [sflag:s20], $0x1000  }
0x22: {  	[sflag:s20] =	ssyncset.done $0x0  }
0x23: {  	s17 =	simm.s32 $0x1000;
	s11 =	rddreg [dreg:$0x7];
	[sflag:s20] =	ssyncadd.s32 $0xFFFFF000  }
0x24: {  	[tilespmem:s17], [sflag:$0x3] =	stream.linear.gather [hbm4b:s11+s3], $0x80, $0x38;
	[tilespmem:$0x1D080] =	vst v63  }
0x25: {  	_ =	swait.ge [sflag:s20], $0x80  }
0x26: {  	[sflag:s20] =	ssyncset.done $0x0  }
0x27: {  	[sflag:s20] =	ssyncadd.s32 $0xFFFFFF80  }
0x28: {  	v3 =	vld [tilespmem:$0x0];
	_ =	sdelay $0x4  }
0x29: {  	v4 =	vshll.u32 v3, $0x3  }
0x2a: {  	v3 =	vand.u32 $0x7, v3;
	v4 =	vand.u32 $0xFFFFFFC0, v4  }
0x2b: {  	v3 =	vor.u32 v3, v4  }
0x2c: {  	v4 =	vperm.xlane v3, v0;
	_ =	sdelay $0x1  }
0x2d: {  	v4 =	vadd.s32 v1, v4;
	_ =	sdelay $0x4  }
0x2e: {  	[tilespmem:s31], [sflag:$0x1] =	stream.indirect_vreg.gather [hbm4b:s2+s3], $0x80, v4, vm0, $0xb8;
	[tilespmem:$0x1D080] =	vst v63  }
0x2f: {  	s17 =	simm.s32 $0x1880;
	v3 =	vperm.xlane v3, v2  }
0x30: {  	[tilespmem:s17], [sflag:$0x1] =	stream.indirect_vreg.gather [hbm4b:s6+s3], $0x80, v4, vm0, $0xb8;
	[tilespmem:$0x1D080] =	vst v63  }
0x31: {  	s16 =	simm.s32 $0x2080;
	v3 =	vadd.s32 v1, v3  }
0x32: {  	[tilespmem:s16], [sflag:$0x1] =	stream.indirect_vreg.gather [hbm4b:s7+s3], $0x80, v4, vm0, $0xb8;
	[tilespmem:$0x1D080] =	vst v63  }
0x33: {  	s17 =	simm.s32 $0x2880  }
0x34: {  	[tilespmem:s17], [sflag:$0x1] =	stream.indirect_vreg.gather [hbm4b:s8+s3], $0x80, v4, vm0, $0xb8;
	[tilespmem:$0x1D080] =	vst v63  }
0x35: {  	_ = 	snop  }
0x36: {  	[tilespmem:s18], [sflag:$0x1] =	stream.indirect_vreg.gather [hbm4b:s2+s3], $0x80, v3, vm0, $0xb8;
	[tilespmem:$0x1D080] =	vst v63  }
0x37: {  	_ = 	snop  }
0x38: {  	[tilespmem:s0], [sflag:$0x1] =	stream.indirect_vreg.gather [hbm4b:s6+s3], $0x80, v3, vm0, $0xb8;
	[tilespmem:$0x1D080] =	vst v63  }
0x39: {  	_ = 	snop  }
0x3a: {  	[tilespmem:s19], [sflag:$0x1] =	stream.indirect_vreg.gather [hbm4b:s7+s3], $0x80, v3, vm0, $0xb8;
	[tilespmem:$0x1D080] =	vst v63  }
0x3b: {  	_ = 	snop  }
0x3c: {  	[tilespmem:s26], [sflag:$0x1] =	stream.indirect_vreg.gather [hbm4b:s8+s3], $0x80, v3, vm0, $0xb8;
	[tilespmem:$0x1D080] =	vst v63  }
0x3d: {  	v3 =	vld [tilespmem:$0x10];
	_ =	sdelay $0x4  }
0x3e: {  	v57 =	vshll.u32 v3, $0x3  }
0x3f: {  	v3 =	vand.u32 $0x7, v3;
	v4 =	vand.u32 $0xFFFFFFC0, v57  }
0x40: {  	v3 =	vor.u32 v3, v4  }
0x41: {  	v4 =	vperm.xlane v3, v0;
	_ =	sdelay $0x1  }
0x42: {  	v4 =	vadd.s32 v1, v4;
	_ =	sdelay $0x4  }
0x43: {  	[tilespmem:s28], [sflag:$0x1] =	stream.indirect_vreg.gather [hbm4b:s2+s3], $0x80, v4, vm0, $0xb8;
	[tilespmem:$0x1D080] =	vst v63  }
0x44: {  	v3 =	vperm.xlane v3, v2  }
0x45: {  	[tilespmem:s21], [sflag:$0x1] =	stream.indirect_vreg.gather [hbm4b:s6+s3], $0x80, v4, vm0, $0xb8;
	[tilespmem:$0x1D080] =	vst v63  }
0x46: {  	v3 =	vadd.s32 v1, v3  }
0x47: {  	[tilespmem:s4], [sflag:$0x1] =	stream.indirect_vreg.gather [hbm4b:s7+s3], $0x80, v4, vm0, $0xb8;
	[tilespmem:$0x1D080] =	vst v63  }
0x48: {  	_ = 	snop  }
0x49: {  	[tilespmem:s5], [sflag:$0x1] =	stream.indirect_vreg.gather [hbm4b:s8+s3], $0x80, v4, vm0, $0xb8;
	[tilespmem:$0x1D080] =	vst v63  }
0x4a: {  	_ = 	snop  }
0x4b: {  	[tilespmem:s9], [sflag:$0x1] =	stream.indirect_vreg.gather [hbm4b:s2+s3], $0x80, v3, vm0, $0xb8;
	[tilespmem:$0x1D080] =	vst v63  }
0x4c: {  	_ = 	snop  }
0x4d: {  	[tilespmem:s23], [sflag:$0x1] =	stream.indirect_vreg.gather [hbm4b:s6+s3], $0x80, v3, vm0, $0xb8;
	[tilespmem:$0x1D080] =	vst v63  }
0x4e: {  	_ = 	snop  }
0x4f: {  	[tilespmem:s24], [sflag:$0x1] =	stream.indirect_vreg.gather [hbm4b:s7+s3], $0x80, v3, vm0, $0xb8;
	[tilespmem:$0x1D080] =	vst v63  }
0x50: {  	_ = 	snop  }
0x51: {  	[tilespmem:s25], [sflag:$0x1] =	stream.indirect_vreg.gather [hbm4b:s8+s3], $0x80, v3, vm0, $0xb8;
	[tilespmem:$0x1D080] =	vst v63  }
0x52: {  	v3 =	vld [tilespmem:$0x20];
	_ =	sdelay $0x4  }
0x53: {  	v58 =	vshll.u32 v3, $0x3  }
0x54: {  	v3 =	vand.u32 $0x7, v3;
	v4 =	vand.u32 $0xFFFFFFC0, v58  }
0x55: {  	v3 =	vor.u32 v3, v4  }
0x56: {  	v4 =	vperm.xlane v3, v0;
	_ =	sdelay $0x1  }
0x57: {  	v4 =	vadd.s32 v1, v4;
	_ =	sdelay $0x4  }
0x58: {  	[tilespmem:s29], [sflag:$0x1] =	stream.indirect_vreg.gather [hbm4b:s2+s3], $0x80, v4, vm0, $0xb8;
	[tilespmem:$0x1D080] =	vst v63  }
0x59: {  	v3 =	vperm.xlane v3, v2  }
0x5a: {  	[tilespmem:s1], [sflag:$0x1] =	stream.indirect_vreg.gather [hbm4b:s6+s3], $0x80, v4, vm0, $0xb8;
	[tilespmem:$0x1D080] =	vst v63  }
0x5b: {  	s5 =	simm.s32 $0xA080;
	v3 =	vadd.s32 v1, v3  }
0x5c: {  	[tilespmem:s5], [sflag:$0x1] =	stream.indirect_vreg.gather [hbm4b:s7+s3], $0x80, v4, vm0, $0xb8;
	[tilespmem:$0x1D080] =	vst v63  }
0x5d: {  	_ = 	snop  }
0x5e: {  	[tilespmem:s22], [sflag:$0x1] =	stream.indirect_vreg.gather [hbm4b:s8+s3], $0x80, v4, vm0, $0xb8;
	[tilespmem:$0x1D080] =	vst v63  }
0x5f: {  	_ = 	snop  }
0x60: {  	[tilespmem:s30], [sflag:$0x1] =	stream.indirect_vreg.gather [hbm4b:s2+s3], $0x80, v3, vm0, $0xb8;
	[tilespmem:$0x1D080] =	vst v63  }
0x61: {  	s9 =	simm.s32 $0xB880  }
0x62: {  	[tilespmem:s9], [sflag:$0x1] =	stream.indirect_vreg.gather [hbm4b:s6+s3], $0x80, v3, vm0, $0xb8;
	[tilespmem:$0x1D080] =	vst v63  }
0x63: {  	s11 =	simm.s32 $0xC080  }
0x64: {  	[tilespmem:s11], [sflag:$0x1] =	stream.indirect_vreg.gather [hbm4b:s7+s3], $0x80, v3, vm0, $0xb8;
	[tilespmem:$0x1D080] =	vst v63  }
0x65: {  	s16 =	simm.s32 $0xC880  }
0x66: {  	[tilespmem:s16], [sflag:$0x1] =	stream.indirect_vreg.gather [hbm4b:s8+s3], $0x80, v3, vm0, $0xb8;
	[tilespmem:$0x1D080] =	vst v63  }
0x67: {  	v3 =	vld.msk [tilespmem:$0x30], $0x3;
	_ =	sdelay $0x4  }
0x68: {  	v59 =	vshll.u32 v3, $0x3  }
0x69: {  	v3 =	vand.u32 $0x7, v3;
	v4 =	vand.u32 $0xFFFFFFC0, v59  }
0x6a: {  	v3 =	vor.u32 v3, v4  }
0x6b: {  	v3 =	vperm.xlane v3, v0;
	_ =	sdelay $0x1  }
0x6c: {  	v3 =	vadd.s32 v1, v3;
	_ =	sdelay $0x3  }
0x6d: {  	s17 =	simm.s32 $0xD080  }
0x6e: {  	[tilespmem:s17], [sflag:$0x1] =	stream.indirect_vreg.gather [hbm4b:s2+s3], $0x80, v3, vm1, $0xb8;
	[tilespmem:$0x1D080] =	vst v63  }
0x6f: {  	s18 =	simm.s32 $0xD880  }
0x70: {  	[tilespmem:s18], [sflag:$0x1] =	stream.indirect_vreg.gather [hbm4b:s6+s3], $0x80, v3, vm1, $0xb8;
	[tilespmem:$0x1D080] =	vst v63  }
0x71: {  	s19 =	simm.s32 $0xE080  }
0x72: {  	[tilespmem:s19], [sflag:$0x1] =	stream.indirect_vreg.gather [hbm4b:s7+s3], $0x80, v3, vm1, $0xb8;
	[tilespmem:$0x1D080] =	vst v63  }
0x73: {  	s21 =	simm.s32 $0xE880  }
0x74: {  	[tilespmem:s21], [sflag:$0x1] =	stream.indirect_vreg.gather [hbm4b:s8+s3], $0x80, v3, vm1, $0xb8;
	[tilespmem:$0x1D080] =	vst v63  }
0x75: {  	v3 =	vld [tilespmem:$0x80];
	_ =	sdelay $0x4  }
0x76: {  	v60 =	vshll.u32 v3, $0x3  }
0x77: {  	v3 =	vand.u32 $0x7, v3;
	v4 =	vand.u32 $0xFFFFFFC0, v60  }
0x78: {  	v3 =	vor.u32 v3, v4  }
0x79: {  	v4 =	vperm.xlane v3, v0;
	_ =	sdelay $0x1  }
0x7a: {  	v4 =	vadd.s32 v1, v4;
	_ =	sdelay $0x3  }
0x7b: {  	s22 =	simm.s32 $0xF080  }
0x7c: {  	[tilespmem:s22], [sflag:$0x2] =	stream.indirect_vreg.gather [hbm4b:s2+s3], $0x80, v4, vm0, $0xb8;
	[tilespmem:$0x1D080] =	vst v63  }
0x7d: {  	v3 =	vperm.xlane v3, v2  }
0x7e: {  	[tilespmem:s12], [sflag:$0x2] =	stream.indirect_vreg.gather [hbm4b:s6+s3], $0x80, v4, vm0, $0xb8;
	[tilespmem:$0x1D080] =	vst v63  }
0x7f: {  	v3 =	vadd.s32 v1, v3  }
0x80: {  	[tilespmem:s13], [sflag:$0x2] =	stream.indirect_vreg.gather [hbm4b:s7+s3], $0x80, v4, vm0, $0xb8;
	[tilespmem:$0x1D080] =	vst v63  }
0x81: {  	_ = 	snop  }
0x82: {  	[tilespmem:s10], [sflag:$0x2] =	stream.indirect_vreg.gather [hbm4b:s8+s3], $0x80, v4, vm0, $0xb8;
	[tilespmem:$0x1D080] =	vst v63  }
0x83: {  	s23 =	simm.s32 $0x11080  }
0x84: {  	[tilespmem:s23], [sflag:$0x2] =	stream.indirect_vreg.gather [hbm4b:s2+s3], $0x80, v3, vm0, $0xb8;
	[tilespmem:$0x1D080] =	vst v63  }
0x85: {  	s24 =	simm.s32 $0x11880  }
0x86: {  	[tilespmem:s24], [sflag:$0x2] =	stream.indirect_vreg.gather [hbm4b:s6+s3], $0x80, v3, vm0, $0xb8;
	[tilespmem:$0x1D080] =	vst v63  }
0x87: {  	s25 =	simm.s32 $0x12080  }
0x88: {  	[tilespmem:s25], [sflag:$0x2] =	stream.indirect_vreg.gather [hbm4b:s7+s3], $0x80, v3, vm0, $0xb8;
	[tilespmem:$0x1D080] =	vst v63  }
0x89: {  	s26 =	simm.s32 $0x12880  }
0x8a: {  	[tilespmem:s26], [sflag:$0x2] =	stream.indirect_vreg.gather [hbm4b:s8+s3], $0x80, v3, vm0, $0xb8;
	[tilespmem:$0x1D080] =	vst v63  }
0x8b: {  	v3 =	vld [tilespmem:$0x90];
	_ =	sdelay $0x4  }
0x8c: {  	v61 =	vshll.u32 v3, $0x3  }
0x8d: {  	v3 =	vand.u32 $0x7, v3;
	v4 =	vand.u32 $0xFFFFFFC0, v61  }
0x8e: {  	v3 =	vor.u32 v3, v4  }
0x8f: {  	v4 =	vperm.xlane v3, v0;
	_ =	sdelay $0x1  }
0x90: {  	v4 =	vadd.s32 v1, v4;
	_ =	sdelay $0x3  }
0x91: {  	s30 =	simm.s32 $0x13080  }
0x92: {  	[tilespmem:s30], [sflag:$0x2] =	stream.indirect_vreg.gather [hbm4b:s2+s3], $0x80, v4, vm0, $0xb8;
	[tilespmem:$0x1D080] =	vst v63  }
0x93: {  	s1 =	simm.s32 $0x13880;
	v3 =	vperm.xlane v3, v2  }
0x94: {  	[tilespmem:s1], [sflag:$0x2] =	stream.indirect_vreg.gather [hbm4b:s6+s3], $0x80, v4, vm0, $0xb8;
	[tilespmem:$0x1D080] =	vst v63  }
0x95: {  	s4 =	simm.s32 $0x14080;
	v3 =	vadd.s32 v1, v3  }
0x96: {  	[tilespmem:s4], [sflag:$0x2] =	stream.indirect_vreg.gather [hbm4b:s7+s3], $0x80, v4, vm0, $0xb8;
	[tilespmem:$0x1D080] =	vst v63  }
0x97: {  	s5 =	simm.s32 $0x14880  }
0x98: {  	[tilespmem:s5], [sflag:$0x2] =	stream.indirect_vreg.gather [hbm4b:s8+s3], $0x80, v4, vm0, $0xb8;
	[tilespmem:$0x1D080] =	vst v63  }
0x99: {  	s9 =	simm.s32 $0x15080  }
0x9a: {  	[tilespmem:s9], [sflag:$0x2] =	stream.indirect_vreg.gather [hbm4b:s2+s3], $0x80, v3, vm0, $0xb8;
	[tilespmem:$0x1D080] =	vst v63  }
0x9b: {  	s11 =	simm.s32 $0x15880  }
0x9c: {  	[tilespmem:s11], [sflag:$0x2] =	stream.indirect_vreg.gather [hbm4b:s6+s3], $0x80, v3, vm0, $0xb8;
	[tilespmem:$0x1D080] =	vst v63  }
0x9d: {  	s16 =	simm.s32 $0x16080  }
0x9e: {  	[tilespmem:s16], [sflag:$0x2] =	stream.indirect_vreg.gather [hbm4b:s7+s3], $0x80, v3, vm0, $0xb8;
	[tilespmem:$0x1D080] =	vst v63  }
0x9f: {  	s17 =	simm.s32 $0x16880  }
0xa0: {  	[tilespmem:s17], [sflag:$0x2] =	stream.indirect_vreg.gather [hbm4b:s8+s3], $0x80, v3, vm0, $0xb8;
	[tilespmem:$0x1D080] =	vst v63  }
0xa1: {  	v3 =	vld [tilespmem:$0xA0];
	_ =	sdelay $0x4  }
0xa2: {  	v62 =	vshll.u32 v3, $0x3  }
0xa3: {  	v3 =	vand.u32 $0x7, v3;
	v4 =	vand.u32 $0xFFFFFFC0, v62  }
0xa4: {  	v3 =	vor.u32 v3, v4  }
0xa5: {  	v4 =	vperm.xlane v3, v0;
	_ =	sdelay $0x1  }
0xa6: {  	v4 =	vadd.s32 v1, v4;
	_ =	sdelay $0x3  }
0xa7: {  	s18 =	simm.s32 $0x17080  }
0xa8: {  	[tilespmem:s18], [sflag:$0x2] =	stream.indirect_vreg.gather [hbm4b:s2+s3], $0x80, v4, vm0, $0xb8;
	[tilespmem:$0x1D080] =	vst v63  }
0xa9: {  	s19 =	simm.s32 $0x17880;
	v3 =	vperm.xlane v3, v2  }
0xaa: {  	[tilespmem:s19], [sflag:$0x2] =	stream.indirect_vreg.gather [hbm4b:s6+s3], $0x80, v4, vm0, $0xb8;
	[tilespmem:$0x1D080] =	vst v63  }
0xab: {  	s21 =	simm.s32 $0x18080;
	v3 =	vadd.s32 v1, v3  }
0xac: {  	[tilespmem:s21], [sflag:$0x2] =	stream.indirect_vreg.gather [hbm4b:s7+s3], $0x80, v4, vm0, $0xb8;
	[tilespmem:$0x1D080] =	vst v63  }
0xad: {  	s22 =	simm.s32 $0x18880  }
0xae: {  	[tilespmem:s22], [sflag:$0x2] =	stream.indirect_vreg.gather [hbm4b:s8+s3], $0x80, v4, vm0, $0xb8;
	[tilespmem:$0x1D080] =	vst v63  }
0xaf: {  	s23 =	simm.s32 $0x19080  }
0xb0: {  	[tilespmem:s23], [sflag:$0x2] =	stream.indirect_vreg.gather [hbm4b:s2+s3], $0x80, v3, vm0, $0xb8;
	[tilespmem:$0x1D080] =	vst v63  }
0xb1: {  	s24 =	simm.s32 $0x19880  }
0xb2: {  	[tilespmem:s24], [sflag:$0x2] =	stream.indirect_vreg.gather [hbm4b:s6+s3], $0x80, v3, vm0, $0xb8;
	[tilespmem:$0x1D080] =	vst v63  }
0xb3: {  	s25 =	simm.s32 $0x1A080  }
0xb4: {  	[tilespmem:s25], [sflag:$0x2] =	stream.indirect_vreg.gather [hbm4b:s7+s3], $0x80, v3, vm0, $0xb8;
	[tilespmem:$0x1D080] =	vst v63  }
0xb5: {  	s26 =	simm.s32 $0x1A880  }
0xb6: {  	[tilespmem:s26], [sflag:$0x2] =	stream.indirect_vreg.gather [hbm4b:s8+s3], $0x80, v3, vm0, $0xb8;
	[tilespmem:$0x1D080] =	vst v63  }
0xb7: {  	v3 =	vld.msk [tilespmem:$0xB0], $0x3;
	_ =	sdelay $0x4  }
0xb8: {  	v63 =	vshll.u32 v3, $0x3  }
0xb9: {  	v3 =	vand.u32 $0x7, v3;
	v4 =	vand.u32 $0xFFFFFFC0, v63  }
0xba: {  	v3 =	vor.u32 v3, v4  }
0xbb: {  	v3 =	vperm.xlane v3, v0;
	_ =	sdelay $0x1  }
0xbc: {  	v3 =	vadd.s32 v1, v3;
	_ =	sdelay $0x1  }
0xbd: {  	s31 =	simm.s32 $0x9080;
	s0 =	simm.s32 $0xA080;
	s28 =	simm.s32 $0x1C880  }
0xbe: {  	s29 =	simm.s32 $0x5080;
	s30 =	simm.s32 $0x1B080;
	s1 =	simm.s32 $0x9880  }
0xbf: {  	s4 =	simm.s32 $0x6080;
	s5 =	simm.s32 $0x6880;
	s9 =	simm.s32 $0x7080  }
0xc0: {  	[tilespmem:s30], [sflag:$0x2] =	stream.indirect_vreg.gather [hbm4b:s2+s3], $0x80, v3, vm1, $0xb8;
	[tilespmem:$0x1D080] =	vst v63  }
0xc1: {  	s16 =	simm.s32 $0x1B0;
	s17 =	simm.s32 $0x0;
	s19 =	simm.s32 $0x1B880  }
0xc2: {  	[tilespmem:s19], [sflag:$0x2] =	stream.indirect_vreg.gather [hbm4b:s6+s3], $0x80, v3, vm1, $0xb8;
	[tilespmem:$0x1D080] =	vst v63  }
0xc3: {  	s21 =	simm.s32 $0x1C080;
	s22 =	simm.s32 $0xA880;
	s23 =	simm.s32 $0x7880  }
0xc4: {  	[tilespmem:s21], [sflag:$0x2] =	stream.indirect_vreg.gather [hbm4b:s7+s3], $0x80, v3, vm1, $0xb8;
	[tilespmem:$0x1D080] =	vst v63  }
0xc5: {  	s24 =	simm.s32 $0x8080;
	s25 =	simm.s32 $0x8880;
	s26 =	simm.s32 $0x4080  }
0xc6: {  	[tilespmem:s28], [sflag:$0x2] =	stream.indirect_vreg.gather [hbm4b:s8+s3], $0x80, v3, vm1, $0xb8;
	[tilespmem:$0x1D080] =	vst v63  }
.LBB2_2:
0xc7: {  	_ =	swait.ge [sflag:s14], $0xC800  }
0xc8: {  	s18 =	rddreg [dreg:$0x5];
	[sflag:s14] =	ssyncset.done $0x0  }
0xc9: {  	s30 =	simm.s32 $0x1080;
	[sflag:s14] =	ssyncadd.s32 $0xFFFF3800;
	s18 =	sadd.s32 s17, s18  }
0xca: {  	[hbm4b:s18+s3] =	stream.linear.scatter [tilespmem:s30], [sflag:$0x3], $0xC000, $0x38;
	[tilespmem:$0x1D080] =	vst v63  }
0xcb: {  	_ =	swait.ge [sflag:s20], $0xC000  }
0xcc: {  	[sflag:s20] =	ssyncset.done $0x0  }
0xcd: {  	[sflag:s20] =	ssyncadd.s32 $0xFFFF4000  }
0xce: {  	v3 =	vld [tilespmem:s16+$0xFFFFFF50];
	_ =	sdelay $0x4  }
0xcf: {  	v4 =	vshll.u32 v3, $0x3  }
0xd0: {  	v3 =	vand.u32 $0x7, v3;
	v4 =	vand.u32 $0xFFFFFFC0, v4  }
0xd1: {  	v3 =	vor.u32 v3, v4  }
0xd2: {  	v4 =	vperm.xlane v3, v0;
	_ =	sdelay $0x1  }
0xd3: {  	v4 =	vadd.s32 v1, v4;
	_ =	sdelay $0x4  }
0xd4: {  	[tilespmem:s30], [sflag:$0x1] =	stream.indirect_vreg.gather [hbm4b:s2+s3], $0x80, v4, vm0, $0xb8;
	[tilespmem:$0x1D080] =	vst v63  }
0xd5: {  	s11 =	simm.s32 $0x1880;
	v3 =	vperm.xlane v3, v2  }
0xd6: {  	[tilespmem:s11], [sflag:$0x1] =	stream.indirect_vreg.gather [hbm4b:s6+s3], $0x80, v4, vm0, $0xb8;
	[tilespmem:$0x1D080] =	vst v63  }
0xd7: {  	v3 =	vadd.s32 v1, v3;
	s11 =	simm.s32 $0x2080  }
0xd8: {  	[tilespmem:s11], [sflag:$0x1] =	stream.indirect_vreg.gather [hbm4b:s7+s3], $0x80, v4, vm0, $0xb8;
	[tilespmem:$0x1D080] =	vst v63  }
0xd9: {  	s11 =	simm.s32 $0x2880  }
0xda: {  	[tilespmem:s11], [sflag:$0x1] =	stream.indirect_vreg.gather [hbm4b:s8+s3], $0x80, v4, vm0, $0xb8;
	[tilespmem:$0x1D080] =	vst v63  }
0xdb: {  	s11 =	simm.s32 $0x3080  }
0xdc: {  	[tilespmem:s11], [sflag:$0x1] =	stream.indirect_vreg.gather [hbm4b:s2+s3], $0x80, v3, vm0, $0xb8;
	[tilespmem:$0x1D080] =	vst v63  }
0xdd: {  	s11 =	simm.s32 $0x3880  }
0xde: {  	[tilespmem:s11], [sflag:$0x1] =	stream.indirect_vreg.gather [hbm4b:s6+s3], $0x80, v3, vm0, $0xb8;
	[tilespmem:$0x1D080] =	vst v63  }
0xdf: {  	_ = 	snop  }
0xe0: {  	[tilespmem:s26], [sflag:$0x1] =	stream.indirect_vreg.gather [hbm4b:s7+s3], $0x80, v3, vm0, $0xb8;
	[tilespmem:$0x1D080] =	vst v63  }
0xe1: {  	s11 =	simm.s32 $0x4880  }
0xe2: {  	[tilespmem:s11], [sflag:$0x1] =	stream.indirect_vreg.gather [hbm4b:s8+s3], $0x80, v3, vm0, $0xb8;
	[tilespmem:$0x1D080] =	vst v63  }
0xe3: {  	v3 =	vld [tilespmem:s16+$0xFFFFFF60];
	_ =	sdelay $0x4  }
0xe4: {  	v57 =	vshll.u32 v3, $0x3  }
0xe5: {  	v3 =	vand.u32 $0x7, v3;
	v4 =	vand.u32 $0xFFFFFFC0, v57  }
0xe6: {  	v3 =	vor.u32 v3, v4  }
0xe7: {  	v4 =	vperm.xlane v3, v0;
	_ =	sdelay $0x1  }
0xe8: {  	v4 =	vadd.s32 v1, v4;
	_ =	sdelay $0x4  }
0xe9: {  	[tilespmem:s29], [sflag:$0x1] =	stream.indirect_vreg.gather [hbm4b:s2+s3], $0x80, v4, vm0, $0xb8;
	[tilespmem:$0x1D080] =	vst v63  }
0xea: {  	s11 =	simm.s32 $0x5880;
	v3 =	vperm.xlane v3, v2  }
0xeb: {  	[tilespmem:s11], [sflag:$0x1] =	stream.indirect_vreg.gather [hbm4b:s6+s3], $0x80, v4, vm0, $0xb8;
	[tilespmem:$0x1D080] =	vst v63  }
0xec: {  	v3 =	vadd.s32 v1, v3  }
0xed: {  	[tilespmem:s4], [sflag:$0x1] =	stream.indirect_vreg.gather [hbm4b:s7+s3], $0x80, v4, vm0, $0xb8;
	[tilespmem:$0x1D080] =	vst v63  }
0xee: {  	_ = 	snop  }
0xef: {  	[tilespmem:s5], [sflag:$0x1] =	stream.indirect_vreg.gather [hbm4b:s8+s3], $0x80, v4, vm0, $0xb8;
	[tilespmem:$0x1D080] =	vst v63  }
0xf0: {  	_ = 	snop  }
0xf1: {  	[tilespmem:s9], [sflag:$0x1] =	stream.indirect_vreg.gather [hbm4b:s2+s3], $0x80, v3, vm0, $0xb8;
	[tilespmem:$0x1D080] =	vst v63  }
0xf2: {  	_ = 	snop  }
0xf3: {  	[tilespmem:s23], [sflag:$0x1] =	stream.indirect_vreg.gather [hbm4b:s6+s3], $0x80, v3, vm0, $0xb8;
	[tilespmem:$0x1D080] =	vst v63  }
0xf4: {  	_ = 	snop  }
0xf5: {  	[tilespmem:s24], [sflag:$0x1] =	stream.indirect_vreg.gather [hbm4b:s7+s3], $0x80, v3, vm0, $0xb8;
	[tilespmem:$0x1D080] =	vst v63  }
0xf6: {  	_ = 	snop  }
0xf7: {  	[tilespmem:s25], [sflag:$0x1] =	stream.indirect_vreg.gather [hbm4b:s8+s3], $0x80, v3, vm0, $0xb8;
	[tilespmem:$0x1D080] =	vst v63  }
0xf8: {  	v3 =	vld [tilespmem:s16+$0xFFFFFF70];
	_ =	sdelay $0x4  }
0xf9: {  	v58 =	vshll.u32 v3, $0x3  }
0xfa: {  	v3 =	vand.u32 $0x7, v3;
	v4 =	vand.u32 $0xFFFFFFC0, v58  }
0xfb: {  	v3 =	vor.u32 v3, v4  }
0xfc: {  	v4 =	vperm.xlane v3, v0;
	_ =	sdelay $0x1  }
0xfd: {  	v4 =	vadd.s32 v1, v4;
	_ =	sdelay $0x4  }
0xfe: {  	[tilespmem:s31], [sflag:$0x1] =	stream.indirect_vreg.gather [hbm4b:s2+s3], $0x80, v4, vm0, $0xb8;
	[tilespmem:$0x1D080] =	vst v63  }
0xff: {  	v3 =	vperm.xlane v3, v2  }
0x100: {  	[tilespmem:s1], [sflag:$0x1] =	stream.indirect_vreg.gather [hbm4b:s6+s3], $0x80, v4, vm0, $0xb8;
	[tilespmem:$0x1D080] =	vst v63  }
0x101: {  	v3 =	vadd.s32 v1, v3  }
0x102: {  	[tilespmem:s0], [sflag:$0x1] =	stream.indirect_vreg.gather [hbm4b:s7+s3], $0x80, v4, vm0, $0xb8;
	[tilespmem:$0x1D080] =	vst v63  }
0x103: {  	_ = 	snop  }
0x104: {  	[tilespmem:s22], [sflag:$0x1] =	stream.indirect_vreg.gather [hbm4b:s8+s3], $0x80, v4, vm0, $0xb8;
	[tilespmem:$0x1D080] =	vst v63  }
0x105: {  	s30 =	simm.s32 $0xB080  }
0x106: {  	[tilespmem:s30], [sflag:$0x1] =	stream.indirect_vreg.gather [hbm4b:s2+s3], $0x80, v3, vm0, $0xb8;
	[tilespmem:$0x1D080] =	vst v63  }
0x107: {  	s11 =	simm.s32 $0xB880  }
0x108: {  	[tilespmem:s11], [sflag:$0x1] =	stream.indirect_vreg.gather [hbm4b:s6+s3], $0x80, v3, vm0, $0xb8;
	[tilespmem:$0x1D080] =	vst v63  }
0x109: {  	s11 =	simm.s32 $0xC080  }
0x10a: {  	[tilespmem:s11], [sflag:$0x1] =	stream.indirect_vreg.gather [hbm4b:s7+s3], $0x80, v3, vm0, $0xb8;
	[tilespmem:$0x1D080] =	vst v63  }
0x10b: {  	s11 =	simm.s32 $0xC880  }
0x10c: {  	[tilespmem:s11], [sflag:$0x1] =	stream.indirect_vreg.gather [hbm4b:s8+s3], $0x80, v3, vm0, $0xb8;
	[tilespmem:$0x1D080] =	vst v63  }
0x10d: {  	v3 =	vld.msk [tilespmem:s16+$0xFFFFFF80], $0x3;
	_ =	sdelay $0x4  }
0x10e: {  	v59 =	vshll.u32 v3, $0x3  }
0x10f: {  	v3 =	vand.u32 $0x7, v3;
	v4 =	vand.u32 $0xFFFFFFC0, v59  }
0x110: {  	v3 =	vor.u32 v3, v4  }
0x111: {  	v3 =	vperm.xlane v3, v0;
	_ =	sdelay $0x1  }
0x112: {  	v3 =	vadd.s32 v1, v3;
	_ =	sdelay $0x3  }
0x113: {  	s11 =	simm.s32 $0xD080  }
0x114: {  	[tilespmem:s11], [sflag:$0x1] =	stream.indirect_vreg.gather [hbm4b:s2+s3], $0x80, v3, vm1, $0xb8;
	[tilespmem:$0x1D080] =	vst v63  }
0x115: {  	s11 =	simm.s32 $0xD880  }
0x116: {  	[tilespmem:s11], [sflag:$0x1] =	stream.indirect_vreg.gather [hbm4b:s6+s3], $0x80, v3, vm1, $0xb8;
	[tilespmem:$0x1D080] =	vst v63  }
0x117: {  	s11 =	simm.s32 $0xE080  }
0x118: {  	[tilespmem:s11], [sflag:$0x1] =	stream.indirect_vreg.gather [hbm4b:s7+s3], $0x80, v3, vm1, $0xb8;
	[tilespmem:$0x1D080] =	vst v63  }
0x119: {  	s11 =	simm.s32 $0xE880  }
0x11a: {  	[tilespmem:s11], [sflag:$0x1] =	stream.indirect_vreg.gather [hbm4b:s8+s3], $0x80, v3, vm1, $0xb8;
	[tilespmem:$0x1D080] =	vst v63  }
0x11b: {  	_ =	swait.ge [sflag:s15], $0xC800  }
0x11c: {  	[sflag:s15] =	ssyncset.done $0x0  }
0x11d: {  	s18 =	sadd.s32 $0x1C00, s18;
	s11 =	simm.s32 $0xF080;
	[sflag:s15] =	ssyncadd.s32 $0xFFFF3800  }
0x11e: {  	[hbm4b:s18+s3] =	stream.linear.scatter [tilespmem:s11], [sflag:$0x3], $0xC000, $0x38;
	[tilespmem:$0x1D080] =	vst v63  }
0x11f: {  	_ =	swait.ge [sflag:s20], $0xC000  }
0x120: {  	[sflag:s20] =	ssyncset.done $0x0  }
0x121: {  	[sflag:s20] =	ssyncadd.s32 $0xFFFF4000  }
0x122: {  	v3 =	vld [tilespmem:s16+$0xFFFFFFD0];
	_ =	sdelay $0x4  }
0x123: {  	v60 =	vshll.u32 v3, $0x3  }
0x124: {  	v3 =	vand.u32 $0x7, v3;
	v4 =	vand.u32 $0xFFFFFFC0, v60  }
0x125: {  	v3 =	vor.u32 v3, v4  }
0x126: {  	v4 =	vperm.xlane v3, v0;
	_ =	sdelay $0x1  }
0x127: {  	v4 =	vadd.s32 v1, v4;
	_ =	sdelay $0x4  }
0x128: {  	[tilespmem:s11], [sflag:$0x2] =	stream.indirect_vreg.gather [hbm4b:s2+s3], $0x80, v4, vm0, $0xb8;
	[tilespmem:$0x1D080] =	vst v63  }
0x129: {  	v3 =	vperm.xlane v3, v2  }
0x12a: {  	[tilespmem:s12], [sflag:$0x2] =	stream.indirect_vreg.gather [hbm4b:s6+s3], $0x80, v4, vm0, $0xb8;
	[tilespmem:$0x1D080] =	vst v63  }
0x12b: {  	v3 =	vadd.s32 v1, v3  }
0x12c: {  	[tilespmem:s13], [sflag:$0x2] =	stream.indirect_vreg.gather [hbm4b:s7+s3], $0x80, v4, vm0, $0xb8;
	[tilespmem:$0x1D080] =	vst v63  }
0x12d: {  	_ = 	snop  }
0x12e: {  	[tilespmem:s10], [sflag:$0x2] =	stream.indirect_vreg.gather [hbm4b:s8+s3], $0x80, v4, vm0, $0xb8;
	[tilespmem:$0x1D080] =	vst v63  }
0x12f: {  	s18 =	simm.s32 $0x11080  }
0x130: {  	[tilespmem:s18], [sflag:$0x2] =	stream.indirect_vreg.gather [hbm4b:s2+s3], $0x80, v3, vm0, $0xb8;
	[tilespmem:$0x1D080] =	vst v63  }
0x131: {  	s18 =	simm.s32 $0x11880  }
0x132: {  	[tilespmem:s18], [sflag:$0x2] =	stream.indirect_vreg.gather [hbm4b:s6+s3], $0x80, v3, vm0, $0xb8;
	[tilespmem:$0x1D080] =	vst v63  }
0x133: {  	s18 =	simm.s32 $0x12080  }
0x134: {  	[tilespmem:s18], [sflag:$0x2] =	stream.indirect_vreg.gather [hbm4b:s7+s3], $0x80, v3, vm0, $0xb8;
	[tilespmem:$0x1D080] =	vst v63  }
0x135: {  	s18 =	simm.s32 $0x12880  }
0x136: {  	[tilespmem:s18], [sflag:$0x2] =	stream.indirect_vreg.gather [hbm4b:s8+s3], $0x80, v3, vm0, $0xb8;
	[tilespmem:$0x1D080] =	vst v63  }
0x137: {  	v3 =	vld [tilespmem:s16+$0xFFFFFFE0];
	_ =	sdelay $0x4  }
0x138: {  	v61 =	vshll.u32 v3, $0x3  }
0x139: {  	v3 =	vand.u32 $0x7, v3;
	v4 =	vand.u32 $0xFFFFFFC0, v61  }
0x13a: {  	v3 =	vor.u32 v3, v4  }
0x13b: {  	v4 =	vperm.xlane v3, v0;
	_ =	sdelay $0x1  }
0x13c: {  	v4 =	vadd.s32 v1, v4;
	_ =	sdelay $0x3  }
0x13d: {  	s18 =	simm.s32 $0x13080  }
0x13e: {  	[tilespmem:s18], [sflag:$0x2] =	stream.indirect_vreg.gather [hbm4b:s2+s3], $0x80, v4, vm0, $0xb8;
	[tilespmem:$0x1D080] =	vst v63  }
0x13f: {  	v3 =	vperm.xlane v3, v2;
	s18 =	simm.s32 $0x13880  }
0x140: {  	[tilespmem:s18], [sflag:$0x2] =	stream.indirect_vreg.gather [hbm4b:s6+s3], $0x80, v4, vm0, $0xb8;
	[tilespmem:$0x1D080] =	vst v63  }
0x141: {  	v3 =	vadd.s32 v1, v3;
	s18 =	simm.s32 $0x14080  }
0x142: {  	[tilespmem:s18], [sflag:$0x2] =	stream.indirect_vreg.gather [hbm4b:s7+s3], $0x80, v4, vm0, $0xb8;
	[tilespmem:$0x1D080] =	vst v63  }
0x143: {  	s18 =	simm.s32 $0x14880  }
0x144: {  	[tilespmem:s18], [sflag:$0x2] =	stream.indirect_vreg.gather [hbm4b:s8+s3], $0x80, v4, vm0, $0xb8;
	[tilespmem:$0x1D080] =	vst v63  }
0x145: {  	s18 =	simm.s32 $0x15080  }
0x146: {  	[tilespmem:s18], [sflag:$0x2] =	stream.indirect_vreg.gather [hbm4b:s2+s3], $0x80, v3, vm0, $0xb8;
	[tilespmem:$0x1D080] =	vst v63  }
0x147: {  	s18 =	simm.s32 $0x15880  }
0x148: {  	[tilespmem:s18], [sflag:$0x2] =	stream.indirect_vreg.gather [hbm4b:s6+s3], $0x80, v3, vm0, $0xb8;
	[tilespmem:$0x1D080] =	vst v63  }
0x149: {  	s18 =	simm.s32 $0x16080  }
0x14a: {  	[tilespmem:s18], [sflag:$0x2] =	stream.indirect_vreg.gather [hbm4b:s7+s3], $0x80, v3, vm0, $0xb8;
	[tilespmem:$0x1D080] =	vst v63  }
0x14b: {  	s18 =	simm.s32 $0x16880  }
0x14c: {  	[tilespmem:s18], [sflag:$0x2] =	stream.indirect_vreg.gather [hbm4b:s8+s3], $0x80, v3, vm0, $0xb8;
	[tilespmem:$0x1D080] =	vst v63  }
0x14d: {  	v3 =	vld [tilespmem:s16+$0xFFFFFFF0];
	_ =	sdelay $0x4  }
0x14e: {  	v62 =	vshll.u32 v3, $0x3  }
0x14f: {  	v3 =	vand.u32 $0x7, v3;
	v4 =	vand.u32 $0xFFFFFFC0, v62  }
0x150: {  	v3 =	vor.u32 v3, v4  }
0x151: {  	v4 =	vperm.xlane v3, v0;
	_ =	sdelay $0x1  }
0x152: {  	v4 =	vadd.s32 v1, v4;
	_ =	sdelay $0x3  }
0x153: {  	s18 =	simm.s32 $0x17080  }
0x154: {  	[tilespmem:s18], [sflag:$0x2] =	stream.indirect_vreg.gather [hbm4b:s2+s3], $0x80, v4, vm0, $0xb8;
	[tilespmem:$0x1D080] =	vst v63  }
0x155: {  	v3 =	vperm.xlane v3, v2;
	s18 =	simm.s32 $0x17880  }
0x156: {  	[tilespmem:s18], [sflag:$0x2] =	stream.indirect_vreg.gather [hbm4b:s6+s3], $0x80, v4, vm0, $0xb8;
	[tilespmem:$0x1D080] =	vst v63  }
0x157: {  	v3 =	vadd.s32 v1, v3;
	s18 =	simm.s32 $0x18080  }
0x158: {  	[tilespmem:s18], [sflag:$0x2] =	stream.indirect_vreg.gather [hbm4b:s7+s3], $0x80, v4, vm0, $0xb8;
	[tilespmem:$0x1D080] =	vst v63  }
0x159: {  	s18 =	simm.s32 $0x18880  }
0x15a: {  	[tilespmem:s18], [sflag:$0x2] =	stream.indirect_vreg.gather [hbm4b:s8+s3], $0x80, v4, vm0, $0xb8;
	[tilespmem:$0x1D080] =	vst v63  }
0x15b: {  	s18 =	simm.s32 $0x19080  }
0x15c: {  	[tilespmem:s18], [sflag:$0x2] =	stream.indirect_vreg.gather [hbm4b:s2+s3], $0x80, v3, vm0, $0xb8;
	[tilespmem:$0x1D080] =	vst v63  }
0x15d: {  	s18 =	simm.s32 $0x19880  }
0x15e: {  	[tilespmem:s18], [sflag:$0x2] =	stream.indirect_vreg.gather [hbm4b:s6+s3], $0x80, v3, vm0, $0xb8;
	[tilespmem:$0x1D080] =	vst v63  }
0x15f: {  	s18 =	simm.s32 $0x1A080  }
0x160: {  	[tilespmem:s18], [sflag:$0x2] =	stream.indirect_vreg.gather [hbm4b:s7+s3], $0x80, v3, vm0, $0xb8;
	[tilespmem:$0x1D080] =	vst v63  }
0x161: {  	s18 =	simm.s32 $0x1A880  }
0x162: {  	[tilespmem:s18], [sflag:$0x2] =	stream.indirect_vreg.gather [hbm4b:s8+s3], $0x80, v3, vm0, $0xb8;
	[tilespmem:$0x1D080] =	vst v63  }
0x163: {  	v3 =	vld.msk [tilespmem:s16+$0x0], $0x3;
	_ =	sdelay $0x4  }
0x164: {  	v63 =	vshll.u32 v3, $0x3  }
0x165: {  	v3 =	vand.u32 $0x7, v3;
	v4 =	vand.u32 $0xFFFFFFC0, v63  }
0x166: {  	v3 =	vor.u32 v3, v4  }
0x167: {  	v3 =	vperm.xlane v3, v0;
	_ =	sdelay $0x1  }
0x168: {  	v3 =	vadd.s32 v1, v3;
	_ =	sdelay $0x3  }
0x169: {  	s18 =	simm.s32 $0x1B080  }
0x16a: {  	[tilespmem:s18], [sflag:$0x2] =	stream.indirect_vreg.gather [hbm4b:s2+s3], $0x80, v3, vm1, $0xb8;
	[tilespmem:$0x1D080] =	vst v63  }
0x16b: {  	p0 =	sne.s32 s17, $0x31000  }
0x16c: {  	[tilespmem:s19], [sflag:$0x2] =	stream.indirect_vreg.gather [hbm4b:s6+s3], $0x80, v3, vm1, $0xb8;
	[tilespmem:$0x1D080] =	vst v63  }
.Ltmp0:
0x16d: {  	_ = 	snop;
	(pc) =	sbr.rel @p0 .LBB2_2-.Ltmp0, $4  }
0x16e: {  	_ = 	snop  }
0x16f: {  	[tilespmem:s21], [sflag:$0x2] =	stream.indirect_vreg.gather [hbm4b:s7+s3], $0x80, v3, vm1, $0xb8;
	[tilespmem:$0x1D080] =	vst v63  }
0x170: {  	s17 =	sadd.s32 $0x3800, s17;
	s16 =	sadd.s32 $0x100, s16  }
0x171: {  	[tilespmem:s28], [sflag:$0x2] =	stream.indirect_vreg.gather [hbm4b:s8+s3], $0x80, v3, vm1, $0xb8;
	[tilespmem:$0x1D080] =	vst v63  }
0x172: {  	_ =	swait.ge [sflag:s14], $0xC800  }
0x173: {  	[sflag:s14] =	ssyncset.done $0x0  }
0x174: {  	s0 =	simm.s32 $0x1080;
	s16 =	rddreg [dreg:$0x8];
	[sflag:s14] =	ssyncadd.s32 $0xFFFF3800  }
0x175: {  	[hbm4b:s16+s3] =	stream.linear.scatter [tilespmem:s0], [sflag:$0x3], $0xC000, $0x38;
	[tilespmem:$0x1D080] =	vst v63  }
0x176: {  	_ =	swait.ge [sflag:s20], $0xC000  }
0x177: {  	[sflag:s20] =	ssyncset.done $0x0  }
0x178: {  	[sflag:s20] =	ssyncadd.s32 $0xFFFF4000  }
0x179: {  	_ =	swait.ge [sflag:s15], $0xC800  }
0x17a: {  	[sflag:s15] =	ssyncset.done $0x0  }
0x17b: {  	s1 =	simm.s32 $0xF080;
	s11 =	rddreg [dreg:$0xa];
	[sflag:s15] =	ssyncadd.s32 $0xFFFF3800  }
0x17c: {  	[hbm4b:s11+s3] =	stream.linear.scatter [tilespmem:s1], [sflag:$0x3], $0xC000, $0x38;
	[tilespmem:$0x1D080] =	vst v63  }
0x17d: {  	_ =	swait.ge [sflag:s20], $0xC000  }
0x17e: {  	[sflag:s20] =	ssyncset.done $0x0  }
0x17f: {  	[sflag:s20] =	ssyncadd.s32 $0xFFFF4000  }
0x180: {  	v3 =	vld.msk [tilespmem:$0x1000], $0xff;
	_ =	sdelay $0x4  }
0x181: {  	v4 =	vshll.u32 v3, $0x3  }
0x182: {  	v3 =	vand.u32 $0x7, v3;
	v4 =	vand.u32 $0xFFFFFFC0, v4  }
0x183: {  	v3 =	vor.u32 v3, v4  }
0x184: {  	v3 =	vperm.xlane v3, v0;
	_ =	sdelay $0x1  }
0x185: {  	v3 =	vadd.s32 v1, v3;
	_ =	sdelay $0x4  }
0x186: {  	[tilespmem:s0], [sflag:$0x1] =	stream.indirect_vreg.gather [hbm4b:s2+s3], $0x80, v3, vm0, $0xb8;
	[tilespmem:$0x1D080] =	vst v63  }
0x187: {  	s4 =	simm.s32 $0x1880  }
0x188: {  	[tilespmem:s4], [sflag:$0x1] =	stream.indirect_vreg.gather [hbm4b:s6+s3], $0x80, v3, vm0, $0xb8;
	[tilespmem:$0x1D080] =	vst v63  }
0x189: {  	s5 =	simm.s32 $0x2080  }
0x18a: {  	[tilespmem:s5], [sflag:$0x1] =	stream.indirect_vreg.gather [hbm4b:s7+s3], $0x80, v3, vm0, $0xb8;
	[tilespmem:$0x1D080] =	vst v63  }
0x18b: {  	s9 =	simm.s32 $0x2880  }
0x18c: {  	[tilespmem:s9], [sflag:$0x1] =	stream.indirect_vreg.gather [hbm4b:s8+s3], $0x80, v3, vm0, $0xb8;
	[tilespmem:$0x1D080] =	vst v63  }
0x18d: {  	v3 =	vld.msk [tilespmem:$0x1008], $0xff;
	_ =	sdelay $0x4  }
0x18e: {  	v57 =	vshll.u32 v3, $0x3  }
0x18f: {  	v3 =	vand.u32 $0x7, v3;
	v4 =	vand.u32 $0xFFFFFFC0, v57  }
0x190: {  	v3 =	vor.u32 v3, v4  }
0x191: {  	v3 =	vperm.xlane v3, v0;
	_ =	sdelay $0x1  }
0x192: {  	v3 =	vadd.s32 v1, v3;
	_ =	sdelay $0x4  }
0x193: {  	[tilespmem:s1], [sflag:$0x2] =	stream.indirect_vreg.gather [hbm4b:s2+s3], $0x80, v3, vm0, $0xb8;
	[tilespmem:$0x1D080] =	vst v63  }
0x194: {  	s10 =	simm.s32 $0xF880  }
0x195: {  	[tilespmem:s10], [sflag:$0x2] =	stream.indirect_vreg.gather [hbm4b:s6+s3], $0x80, v3, vm0, $0xb8;
	[tilespmem:$0x1D080] =	vst v63  }
0x196: {  	s11 =	simm.s32 $0x10080  }
0x197: {  	[tilespmem:s11], [sflag:$0x2] =	stream.indirect_vreg.gather [hbm4b:s7+s3], $0x80, v3, vm0, $0xb8;
	[tilespmem:$0x1D080] =	vst v63  }
0x198: {  	s17 =	simm.s32 $0x10880  }
0x199: {  	[tilespmem:s17], [sflag:$0x2] =	stream.indirect_vreg.gather [hbm4b:s8+s3], $0x80, v3, vm0, $0xb8;
	[tilespmem:$0x1D080] =	vst v63  }
0x19a: {  	_ =	swait.ge [sflag:s14], $0x2000  }
0x19b: {  	[sflag:s14] =	ssyncset.done $0x0  }
0x19c: {  	s12 =	rddreg [dreg:$0x9];
	[sflag:s14] =	ssyncadd.s32 $0xFFFFE000  }
0x19d: {  	[hbm4b:s12+s3] =	stream.linear.scatter [tilespmem:s0], [sflag:$0x3], $0x2000, $0x38;
	[tilespmem:$0x1D080] =	vst v63  }
0x19e: {  	_ =	swait.ge [sflag:s20], $0x2000  }
0x19f: {  	[sflag:s20] =	ssyncset.done $0x0  }
0x1a0: {  	[sflag:s20] =	ssyncadd.s32 $0xFFFFE000  }
0x1a1: {  	v3 =	vld.msk [tilespmem:$0x1010], $0xff;
	_ =	sdelay $0x4  }
0x1a2: {  	v58 =	vshll.u32 v3, $0x3  }
0x1a3: {  	v3 =	vand.u32 $0x7, v3;
	v4 =	vand.u32 $0xFFFFFFC0, v58  }
0x1a4: {  	v3 =	vor.u32 v3, v4  }
0x1a5: {  	v3 =	vperm.xlane v3, v0;
	_ =	sdelay $0x1  }
0x1a6: {  	v3 =	vadd.s32 v1, v3;
	_ =	sdelay $0x4  }
0x1a7: {  	[tilespmem:s0], [sflag:$0x1] =	stream.indirect_vreg.gather [hbm4b:s2+s3], $0x80, v3, vm0, $0xb8;
	[tilespmem:$0x1D080] =	vst v63  }
0x1a8: {  	_ = 	snop  }
0x1a9: {  	[tilespmem:s4], [sflag:$0x1] =	stream.indirect_vreg.gather [hbm4b:s6+s3], $0x80, v3, vm0, $0xb8;
	[tilespmem:$0x1D080] =	vst v63  }
0x1aa: {  	_ = 	snop  }
0x1ab: {  	[tilespmem:s5], [sflag:$0x1] =	stream.indirect_vreg.gather [hbm4b:s7+s3], $0x80, v3, vm0, $0xb8;
	[tilespmem:$0x1D080] =	vst v63  }
0x1ac: {  	_ = 	snop  }
0x1ad: {  	[tilespmem:s9], [sflag:$0x1] =	stream.indirect_vreg.gather [hbm4b:s8+s3], $0x80, v3, vm0, $0xb8;
	[tilespmem:$0x1D080] =	vst v63  }
0x1ae: {  	_ =	swait.ge [sflag:s15], $0x2000  }
0x1af: {  	[sflag:s15] =	ssyncset.done $0x0  }
0x1b0: {  	s13 =	rddreg [dreg:$0xb];
	[sflag:s15] =	ssyncadd.s32 $0xFFFFE000  }
0x1b1: {  	[hbm4b:s13+s3] =	stream.linear.scatter [tilespmem:s1], [sflag:$0x3], $0x2000, $0x38;
	[tilespmem:$0x1D080] =	vst v63  }
0x1b2: {  	_ =	swait.ge [sflag:s20], $0x2000  }
0x1b3: {  	[sflag:s20] =	ssyncset.done $0x0  }
0x1b4: {  	[sflag:s20] =	ssyncadd.s32 $0xFFFFE000  }
0x1b5: {  	v3 =	vld.msk [tilespmem:$0x1018], $0xff;
	_ =	sdelay $0x4  }
0x1b6: {  	v59 =	vshll.u32 v3, $0x3  }
0x1b7: {  	v3 =	vand.u32 $0x7, v3;
	v4 =	vand.u32 $0xFFFFFFC0, v59  }
0x1b8: {  	v3 =	vor.u32 v3, v4  }
0x1b9: {  	v3 =	vperm.xlane v3, v0;
	_ =	sdelay $0x1  }
0x1ba: {  	v3 =	vadd.s32 v1, v3;
	_ =	sdelay $0x4  }
0x1bb: {  	[tilespmem:s1], [sflag:$0x2] =	stream.indirect_vreg.gather [hbm4b:s2+s3], $0x80, v3, vm0, $0xb8;
	[tilespmem:$0x1D080] =	vst v63  }
0x1bc: {  	_ = 	snop  }
0x1bd: {  	[tilespmem:s10], [sflag:$0x2] =	stream.indirect_vreg.gather [hbm4b:s6+s3], $0x80, v3, vm0, $0xb8;
	[tilespmem:$0x1D080] =	vst v63  }
0x1be: {  	_ = 	snop  }
0x1bf: {  	[tilespmem:s11], [sflag:$0x2] =	stream.indirect_vreg.gather [hbm4b:s7+s3], $0x80, v3, vm0, $0xb8;
	[tilespmem:$0x1D080] =	vst v63  }
0x1c0: {  	_ = 	snop  }
0x1c1: {  	[tilespmem:s17], [sflag:$0x2] =	stream.indirect_vreg.gather [hbm4b:s8+s3], $0x80, v3, vm0, $0xb8;
	[tilespmem:$0x1D080] =	vst v63  }
0x1c2: {  	_ =	swait.ge [sflag:s14], $0x2000  }
0x1c3: {  	[sflag:s14] =	ssyncset.done $0x0  }
0x1c4: {  	s18 =	rddreg [dreg:$0xc];
	[sflag:s14] =	ssyncadd.s32 $0xFFFFE000  }
0x1c5: {  	[hbm4b:s18+s3] =	stream.linear.scatter [tilespmem:s0], [sflag:$0x3], $0x2000, $0x38;
	[tilespmem:$0x1D080] =	vst v63  }
0x1c6: {  	_ =	swait.ge [sflag:s20], $0x2000  }
0x1c7: {  	[sflag:s20] =	ssyncset.done $0x0  }
0x1c8: {  	[sflag:s20] =	ssyncadd.s32 $0xFFFFE000  }
0x1c9: {  	v3 =	vld.msk [tilespmem:$0x1020], $0xff;
	_ =	sdelay $0x4  }
0x1ca: {  	v60 =	vshll.u32 v3, $0x3  }
0x1cb: {  	v3 =	vand.u32 $0x7, v3;
	v4 =	vand.u32 $0xFFFFFFC0, v60  }
0x1cc: {  	v3 =	vor.u32 v3, v4  }
0x1cd: {  	v3 =	vperm.xlane v3, v0;
	_ =	sdelay $0x1  }
0x1ce: {  	v3 =	vadd.s32 v1, v3;
	_ =	sdelay $0x4  }
0x1cf: {  	[tilespmem:s0], [sflag:$0x1] =	stream.indirect_vreg.gather [hbm4b:s2+s3], $0x80, v3, vm0, $0xb8;
	[tilespmem:$0x1D080] =	vst v63  }
0x1d0: {  	_ = 	snop  }
0x1d1: {  	[tilespmem:s4], [sflag:$0x1] =	stream.indirect_vreg.gather [hbm4b:s6+s3], $0x80, v3, vm0, $0xb8;
	[tilespmem:$0x1D080] =	vst v63  }
0x1d2: {  	_ = 	snop  }
0x1d3: {  	[tilespmem:s5], [sflag:$0x1] =	stream.indirect_vreg.gather [hbm4b:s7+s3], $0x80, v3, vm0, $0xb8;
	[tilespmem:$0x1D080] =	vst v63  }
0x1d4: {  	_ = 	snop  }
0x1d5: {  	[tilespmem:s9], [sflag:$0x1] =	stream.indirect_vreg.gather [hbm4b:s8+s3], $0x80, v3, vm0, $0xb8;
	[tilespmem:$0x1D080] =	vst v63  }
0x1d6: {  	_ =	swait.ge [sflag:s15], $0x2000  }
0x1d7: {  	[sflag:s15] =	ssyncset.done $0x0  }
0x1d8: {  	s19 =	rddreg [dreg:$0xd];
	[sflag:s15] =	ssyncadd.s32 $0xFFFFE000  }
0x1d9: {  	[hbm4b:s19+s3] =	stream.linear.scatter [tilespmem:s1], [sflag:$0x3], $0x2000, $0x38;
	[tilespmem:$0x1D080] =	vst v63  }
0x1da: {  	_ =	swait.ge [sflag:s20], $0x2000  }
0x1db: {  	[sflag:s20] =	ssyncset.done $0x0  }
0x1dc: {  	[sflag:s20] =	ssyncadd.s32 $0xFFFFE000  }
0x1dd: {  	v3 =	vld.msk [tilespmem:$0x1028], $0xff;
	_ =	sdelay $0x4  }
0x1de: {  	v61 =	vshll.u32 v3, $0x3  }
0x1df: {  	v3 =	vand.u32 $0x7, v3;
	v4 =	vand.u32 $0xFFFFFFC0, v61  }
0x1e0: {  	v3 =	vor.u32 v3, v4  }
0x1e1: {  	v3 =	vperm.xlane v3, v0;
	_ =	sdelay $0x1  }
0x1e2: {  	v3 =	vadd.s32 v1, v3;
	_ =	sdelay $0x4  }
0x1e3: {  	[tilespmem:s1], [sflag:$0x2] =	stream.indirect_vreg.gather [hbm4b:s2+s3], $0x80, v3, vm0, $0xb8;
	[tilespmem:$0x1D080] =	vst v63  }
0x1e4: {  	_ = 	snop  }
0x1e5: {  	[tilespmem:s10], [sflag:$0x2] =	stream.indirect_vreg.gather [hbm4b:s6+s3], $0x80, v3, vm0, $0xb8;
	[tilespmem:$0x1D080] =	vst v63  }
0x1e6: {  	_ = 	snop  }
0x1e7: {  	[tilespmem:s11], [sflag:$0x2] =	stream.indirect_vreg.gather [hbm4b:s7+s3], $0x80, v3, vm0, $0xb8;
	[tilespmem:$0x1D080] =	vst v63  }
0x1e8: {  	_ = 	snop  }
0x1e9: {  	[tilespmem:s17], [sflag:$0x2] =	stream.indirect_vreg.gather [hbm4b:s8+s3], $0x80, v3, vm0, $0xb8;
	[tilespmem:$0x1D080] =	vst v63  }
0x1ea: {  	_ =	swait.ge [sflag:s14], $0x2000  }
0x1eb: {  	[sflag:s14] =	ssyncset.done $0x0  }
0x1ec: {  	s21 =	rddreg [dreg:$0xe];
	[sflag:s14] =	ssyncadd.s32 $0xFFFFE000  }
0x1ed: {  	[hbm4b:s21+s3] =	stream.linear.scatter [tilespmem:s0], [sflag:$0x3], $0x2000, $0x38;
	[tilespmem:$0x1D080] =	vst v63  }
0x1ee: {  	_ =	swait.ge [sflag:s20], $0x2000  }
0x1ef: {  	[sflag:s20] =	ssyncset.done $0x0  }
0x1f0: {  	[sflag:s20] =	ssyncadd.s32 $0xFFFFE000  }
0x1f1: {  	v3 =	vld.msk [tilespmem:$0x1030], $0xff;
	_ =	sdelay $0x4  }
0x1f2: {  	v62 =	vshll.u32 v3, $0x3  }
0x1f3: {  	v3 =	vand.u32 $0x7, v3;
	v4 =	vand.u32 $0xFFFFFFC0, v62  }
0x1f4: {  	v3 =	vor.u32 v3, v4  }
0x1f5: {  	v3 =	vperm.xlane v3, v0;
	_ =	sdelay $0x1  }
0x1f6: {  	v3 =	vadd.s32 v1, v3;
	_ =	sdelay $0x4  }
0x1f7: {  	[tilespmem:s0], [sflag:$0x1] =	stream.indirect_vreg.gather [hbm4b:s2+s3], $0x80, v3, vm0, $0xb8;
	[tilespmem:$0x1D080] =	vst v63  }
0x1f8: {  	_ = 	snop  }
0x1f9: {  	[tilespmem:s4], [sflag:$0x1] =	stream.indirect_vreg.gather [hbm4b:s6+s3], $0x80, v3, vm0, $0xb8;
	[tilespmem:$0x1D080] =	vst v63  }
0x1fa: {  	_ = 	snop  }
0x1fb: {  	[tilespmem:s5], [sflag:$0x1] =	stream.indirect_vreg.gather [hbm4b:s7+s3], $0x80, v3, vm0, $0xb8;
	[tilespmem:$0x1D080] =	vst v63  }
0x1fc: {  	_ = 	snop  }
0x1fd: {  	[tilespmem:s9], [sflag:$0x1] =	stream.indirect_vreg.gather [hbm4b:s8+s3], $0x80, v3, vm0, $0xb8;
	[tilespmem:$0x1D080] =	vst v63  }
0x1fe: {  	_ =	swait.ge [sflag:s15], $0x2000  }
0x1ff: {  	[sflag:s15] =	ssyncset.done $0x0  }
0x200: {  	s22 =	rddreg [dreg:$0xf];
	[sflag:s15] =	ssyncadd.s32 $0xFFFFE000  }
0x201: {  	[hbm4b:s22+s3] =	stream.linear.scatter [tilespmem:s1], [sflag:$0x3], $0x2000, $0x38;
	[tilespmem:$0x1D080] =	vst v63  }
0x202: {  	_ =	swait.ge [sflag:s20], $0x2000  }
0x203: {  	[sflag:s20] =	ssyncset.done $0x0  }
0x204: {  	[sflag:s20] =	ssyncadd.s32 $0xFFFFE000  }
0x205: {  	v3 =	vld.msk [tilespmem:$0x1038], $0xff;
	_ =	sdelay $0x4  }
0x206: {  	v63 =	vshll.u32 v3, $0x3  }
0x207: {  	v3 =	vand.u32 $0x7, v3;
	v4 =	vand.u32 $0xFFFFFFC0, v63  }
0x208: {  	v3 =	vor.u32 v3, v4  }
0x209: {  	v3 =	vperm.xlane v3, v0;
	_ =	sdelay $0x1  }
0x20a: {  	v3 =	vadd.s32 v1, v3;
	_ =	sdelay $0x4  }
0x20b: {  	[tilespmem:s1], [sflag:$0x2] =	stream.indirect_vreg.gather [hbm4b:s2+s3], $0x80, v3, vm0, $0xb8;
	[tilespmem:$0x1D080] =	vst v63  }
0x20c: {  	_ = 	snop  }
0x20d: {  	[tilespmem:s10], [sflag:$0x2] =	stream.indirect_vreg.gather [hbm4b:s6+s3], $0x80, v3, vm0, $0xb8;
	[tilespmem:$0x1D080] =	vst v63  }
0x20e: {  	_ = 	snop  }
0x20f: {  	[tilespmem:s11], [sflag:$0x2] =	stream.indirect_vreg.gather [hbm4b:s7+s3], $0x80, v3, vm0, $0xb8;
	[tilespmem:$0x1D080] =	vst v63  }
0x210: {  	_ = 	snop  }
0x211: {  	[tilespmem:s17], [sflag:$0x2] =	stream.indirect_vreg.gather [hbm4b:s8+s3], $0x80, v3, vm0, $0xb8;
	[tilespmem:$0x1D080] =	vst v63  }
0x212: {  	_ =	swait.ge [sflag:s14], $0x2000  }
0x213: {  	[sflag:s14] =	ssyncset.done $0x0  }
0x214: {  	s23 =	rddreg [dreg:$0x10];
	[sflag:s14] =	ssyncadd.s32 $0xFFFFE000  }
0x215: {  	[hbm4b:s23+s3] =	stream.linear.scatter [tilespmem:s0], [sflag:$0x3], $0x2000, $0x38;
	[tilespmem:$0x1D080] =	vst v63  }
0x216: {  	_ =	swait.ge [sflag:s20], $0x2000  }
0x217: {  	[sflag:s20] =	ssyncset.done $0x0  }
0x218: {  	[sflag:s20] =	ssyncadd.s32 $0xFFFFE000  }
0x219: {  	_ =	swait.ge [sflag:s15], $0x2000  }
0x21a: {  	[sflag:s15] =	ssyncset.done $0x0  }
0x21b: {  	s24 =	rddreg [dreg:$0x11];
	[sflag:s15] =	ssyncadd.s32 $0xFFFFE000  }
0x21c: {  	[hbm4b:s24+s3] =	stream.linear.scatter [tilespmem:s1], [sflag:$0x3], $0x2000, $0x38;
	[tilespmem:$0x1D080] =	vst v63  }
0x21d: {  	s31 =	simm.s32 $0x1080;
	s28 =	simm.s32 $0x5080;
	_ =	swait.ge [sflag:s20], $0x2000  }
0x21e: {  	s29 =	simm.s32 $0x9080;
	s12 =	simm.s32 $0xF880;
	s25 =	rddreg [dreg:$0x13]  }
0x21f: {  	s13 =	simm.s32 $0x10080;
	s26 =	rddreg [dreg:$0x12];
	s11 =	sadd.s32 $0x1, s25  }
0x220: {  	s18 =	simm.s32 $0x3080;
	s19 =	simm.s32 $0x4080;
	p0 =	sne.s32 s11, s26  }
.Ltmp1:
0x221: {  	s21 =	simm.s32 $0x5880;
	s4 =	simm.s32 $0x6080;
	(pc) =	sbr.rel @p0 .LBB2_1-.Ltmp1, $4  }
0x222: {  	s5 =	simm.s32 $0x6880;
	s9 =	simm.s32 $0x7080;
	s22 =	simm.s32 $0xA880  }
0x223: {  	s10 =	simm.s32 $0x10880;
	s0 =	simm.s32 $0x3880;
	s23 =	simm.s32 $0x7880  }
0x224: {  	s24 =	simm.s32 $0x8080;
	s1 =	simm.s32 $0x9880;
	[sflag:s20] =	ssyncset.done $0x0  }
0x225: {  	[sflag:s20] =	ssyncadd.s32 $0xFFFFE000;
	s25 =	simm.s32 $0x8880;
	s26 =	simm.s32 $0x4880  }
0x226: {  	_ =	sfence.sel $0x180000  }
0x227: {  	[bflag:$0x0] =	sbarrier.arrive $0xFFFF  }
0x228: {  	_ =	strace $0x90000047  }
0x229: {  	s0 =	stileid.u32;
	[bflag:$0x2] =	sbarrier.arrive $0xFFFF  }
0x22a: {  	p0 =	sne.s32 s0, $0x0;
	s0 =	rddreg [dreg:$0x4]  }
0x22b: {  	s0 =	sadd.s32 @!p0 $0x100000, s0  }
0x22c: {  	[sflag:s0] =	ssyncadd.tile.s32 @!p0 $0x1;
	_ =	shalt  }
.Lfunc_end2:
_tile_overlayer_lowered:
.L_overlay_start_2:
0x22d: {  	(tag) =	ssettag $0x2  }
0x22e: {  	s0 =	rddreg [dreg:$0x0];
	s2 =	stileid.u32  }
0x22f: {  	s1 =	rddreg [dreg:$0x1];
	p0 =	sne.s32 s2, $0x0  }
0x230: {  	s3 =	rddreg [dreg:$0x2];
	[bflag:$0x3] =	sbarrier.arrive $0xFFFF;
	s2 =	simm.s32 @!p0 $0x1C03  }
0x231: {  	[timem:s3], [sflag:s2] =	dma.local @!p0 [hbm:s0], s1  }
0x232: {  	s0 =	simm.s32 @!p0 $0x3  }
0x233: {  	_ =	swait.ge @!p0 [sflag:s0], s1  }
0x234: {  	s1 =	ssub.s32 @!p0 $0x0, s1;
	[sflag:s0] =	ssyncset.done @!p0 $0x0  }
0x235: {  	[sflag:s0] =	ssyncadd.s32 @!p0 s1  }
0x236: {  	[bflag:$0x3] =	sbarrier.arrive $0xFFFF  }
0x237: {  	_ =	shalt  }

</sc_bundles>
